<compile_context>
chip_gen: v7x
topology: tpu7x:2x2x1
jax: 0.10.2.dev20260603
libtpu: 0.0.44.dev20260713+nightly
codegen_flags: <defaults>
</compile_context>

<pallas_src>
import functools

import jax
import jax.numpy as jnp
from jax import lax
from jax.experimental import pallas as pl
from jax.experimental.pallas import tpu as pltpu
from jax.experimental.pallas import tpu_sc as plsc

NC = 2
NS = 16
L = 16

H = 0.1
S0 = float((1.0 + 1e-5) ** -0.5)

STEP = 128
KCH = 8


def _round_up(x, m):
    return (x + m - 1) // m * m


def _fill(buf, val):
    lanes = 32 if buf.dtype == jnp.bfloat16 else L
    v = jnp.full((lanes,), val, buf.dtype)
    ncol = buf.shape[1]

    def body(i, _):
        for k in range(ncol // lanes):
            buf[i, pl.ds(k * lanes, lanes)] = v
        return 0
    lax.fori_loop(0, buf.shape[0], body, 0)


def _deg_kernel(stripe, nsteps, src_i, deg_out, acc, idxb, onesb, sem0):
    c = lax.axis_index("c")
    s = lax.axis_index("s")
    _fill(onesb, 0.0)
    for z in range(stripe // 128):
        pltpu.sync_copy(onesb, acc.at[pl.ds(s * stripe + z * 128, 128)])
    _fill(onesb, 1.0)
    plsc.subcore_barrier()

    ebase = (c * NS + s) * nsteps * STEP

    def chunk(g, _):
        pltpu.sync_copy(src_i.at[pl.ds(ebase + g * (KCH * STEP), KCH * STEP)],
                        idxb)
        cps = [pltpu.async_copy(onesb, acc.at[idxb.at[pl.ds(j * STEP, STEP)]],
                                sem0, add=True) for j in range(KCH)]
        for cp in cps:
            cp.wait()
        return 0
    lax.fori_loop(0, nsteps // KCH, chunk, 0)

    plsc.subcore_barrier()
    r0 = s * stripe

    def cp(z, _):
        pltpu.sync_copy(acc.at[pl.ds(r0 + z * 128, 128)], onesb)
        pltpu.sync_copy(onesb, deg_out.at[c, pl.ds(r0 + z * 128, 128)])
        return 0
    lax.fori_loop(0, stripe // 128, cp, 0)


@functools.partial(jax.jit, static_argnums=(1,))
def _deg_call(src_i, nrows):
    stripe = nrows // NS
    nsteps = src_i.shape[0] // (NC * NS * STEP)
    mesh = plsc.VectorSubcoreMesh(core_axis_name="c", subcore_axis_name="s",
                                  num_cores=NC, num_subcores=NS)
    kern = pl.kernel(
        functools.partial(_deg_kernel, stripe, nsteps),
        out_type=jax.ShapeDtypeStruct((NC, nrows, 32), jnp.float32),
        mesh=mesh,
        scratch_types=[
            pltpu.VMEM_SHARED((nrows, 32), jnp.float32),
            pltpu.VMEM((KCH * STEP,), jnp.int32),
            pltpu.VMEM((128, 32), jnp.float32),
            pltpu.SemaphoreType.DMA,
        ],
        compiler_params=pltpu.CompilerParams(use_tc_tiling_on_sc=False),
    )
    return kern(src_i)


def _lap_kernel(stripe, k0, k1, table, src_i, dst_i, out, acc, srcb, dstb,
                rows0, rows1, rows2, rows3, rows4, sem0, sem1, sem2, sem3,
                sem4, ssem0, ssem1, semis, semid):
    c = lax.axis_index("c")
    s = lax.axis_index("s")

    _fill(rows0, 0.0)
    for z in range(stripe // 128):
        pltpu.sync_copy(rows0, acc.at[pl.ds(s * stripe + z * 128, 128)])
    plsc.subcore_barrier()

    CL = KCH * STEP
    kc = jnp.where(c == 0, k0, k1)
    nchunks = kc
    ebase = (c * (NS * k0) + s * kc) * CL
    rows = (rows0, rows1, rows2, rows3, rows4)
    gsem = (sem0, sem1, sem2, sem3, sem4)
    ssem = (ssem0, ssem1)
    R = len(rows)

    pltpu.async_copy(src_i.at[pl.ds(ebase, CL)], srcb.at[pl.ds(0, CL)], semis)
    pltpu.async_copy(dst_i.at[pl.ds(ebase, CL)], dstb.at[pl.ds(0, CL)], semid)

    def chunk(g, _):
        coff = ebase + g * CL
        goff = lax.rem(g, 2) * CL
        noff = CL - goff
        pltpu.make_async_copy(src_i.at[pl.ds(coff, CL)],
                              srcb.at[pl.ds(goff, CL)], semis).wait()
        pltpu.make_async_copy(dst_i.at[pl.ds(coff, CL)],
                              dstb.at[pl.ds(goff, CL)], semid).wait()

        @pl.when(g + 1 < nchunks)
        def _():
            pltpu.async_copy(src_i.at[pl.ds(coff + CL, CL)],
                             srcb.at[pl.ds(noff, CL)], semis)
            pltpu.async_copy(dst_i.at[pl.ds(coff + CL, CL)],
                             dstb.at[pl.ds(noff, CL)], semid)

        def gather(j, buf, sem):
            return pltpu.async_copy(
                table.at[srcb.at[pl.ds(goff + j * STEP, STEP)]], buf, sem)

        cp = [None] * KCH
        scp = [None] * KCH
        for j in range(R):
            cp[j] = gather(j, rows[j], gsem[j])
        for j in range(KCH):
            cp[j].wait()
            scp[j] = pltpu.async_copy(
                rows[j % R], acc.at[dstb.at[pl.ds(goff + j * STEP, STEP)]],
                ssem[j % 2], add=True)
            nj = j + R
            if nj < KCH:
                scp[nj - R].wait()
                cp[nj] = gather(nj, rows[j % R], gsem[j % R])
        for j in range(KCH - R, KCH):
            scp[j].wait()
        return 0
    lax.fori_loop(0, nchunks, chunk, 0)

    plsc.subcore_barrier()
    r0 = s * stripe

    def cp(z, _):
        pltpu.sync_copy(acc.at[pl.ds(r0 + z * 128, 128)], rows1)
        pltpu.sync_copy(rows1, out.at[c, pl.ds(r0 + z * 128, 128)])
        return 0
    lax.fori_loop(0, stripe // 128, cp, 0)


SPLIT0 = 0.72


@functools.partial(jax.jit, static_argnums=(3,))
def _lap_call(table, src_i, dst_i, acc_rows):
    stripe = acc_rows // NS
    hw = table.shape[1]
    cpp = src_i.shape[0] // (NS * KCH * STEP)
    k0 = min(cpp - 1, max(1, int(round(cpp * SPLIT0))))
    k1 = cpp - k0
    mesh = plsc.VectorSubcoreMesh(core_axis_name="c", subcore_axis_name="s",
                                  num_cores=NC, num_subcores=NS)
    kern = pl.kernel(
        functools.partial(_lap_kernel, stripe, k0, k1),
        out_type=jax.ShapeDtypeStruct((NC, acc_rows, hw), jnp.bfloat16),
        mesh=mesh,
        scratch_types=[
            pltpu.VMEM_SHARED((acc_rows, hw), jnp.bfloat16),
            pltpu.VMEM((2 * KCH * STEP,), jnp.int32),
            pltpu.VMEM((2 * KCH * STEP,), jnp.int32),
            pltpu.VMEM((128, hw), jnp.bfloat16),
            pltpu.VMEM((128, hw), jnp.bfloat16),
            pltpu.VMEM((128, hw), jnp.bfloat16),
            pltpu.VMEM((128, hw), jnp.bfloat16),
            pltpu.VMEM((128, hw), jnp.bfloat16),
            pltpu.SemaphoreType.DMA,
            pltpu.SemaphoreType.DMA,
            pltpu.SemaphoreType.DMA,
            pltpu.SemaphoreType.DMA,
            pltpu.SemaphoreType.DMA,
            pltpu.SemaphoreType.DMA,
            pltpu.SemaphoreType.DMA,
            pltpu.SemaphoreType.DMA,
            pltpu.SemaphoreType.DMA,
        ],
        compiler_params=pltpu.CompilerParams(use_tc_tiling_on_sc=False),
    )
    return kern(table, src_i, dst_i)


def _relu_bn(x):
    return jnp.maximum(x * S0, 0.0)


def _dinv_of(deg_r):
    deg = deg_r[0] + deg_r[1]
    return jnp.where(deg > 0, lax.rsqrt(jnp.maximum(deg, 1.0)), 0.0)


def _prologue(Tb, tfb, WoT, bo, wh, bh, wt, bt, WsT, bs):
    Thist = _relu_bn(jnp.dot(Tb, WoT, preferred_element_type=jnp.float32) + bo)
    Tst = _relu_bn(Tb[:, -1:] * wh + bh)
    pre = jnp.dot(tfb, wt, preferred_element_type=jnp.float32) + bt
    te = pre * jax.nn.sigmoid(pre)
    Tst = Tst + te * WsT + bs
    return Thist, Tst


def _reaction(Thist, comb, HEaT, HEbT, heb, K1T, k1b, K2T, k2b, KUT, kub):
    Th = _relu_bn(jnp.dot(Thist, HEaT, preferred_element_type=jnp.float32)
                  + jnp.dot(comb, HEbT, preferred_element_type=jnp.float32) + heb)
    dT = (jnp.dot(Th, K1T, preferred_element_type=jnp.float32) + k1b
          + jnp.dot(Thist, KUT, preferred_element_type=jnp.float32) + kub
          + comb * jnp.clip(jnp.dot(Th, K2T, preferred_element_type=jnp.float32)
                            + k2b, -1.0, 1.0))
    return _relu_bn(comb + H * dT)


def _diffusion(Rst, ay_r, dinv, Kd):
    ay = (ay_r[0] + ay_r[1]).astype(jnp.float32) * dinv
    return Rst - H * Kd * (Rst - ay)


def _tc1_body(T_r, tf_r, deg_r, WoT_r, bo_r, wh_r, bh_r, wt_r, bt_r, WsT_r,
              bs_r, C0_r, HEaT_r, HEbT_r, heb_r, K1T_r, k1b_r, K2T_r, k2b_r,
              KUT_r, kub_r, rst_out, rs2_out):
    Tb = T_r[...]
    Thist, Tst = _prologue(Tb, tf_r[...], WoT_r[...], bo_r[...], wh_r[...],
                           bh_r[...], wt_r[...], bt_r[...], WsT_r[...],
                           bs_r[...])
    comb = Tst * C0_r[:, 0:1]
    Rst = _reaction(Thist, comb, HEaT_r[...], HEbT_r[...], heb_r[...],
                    K1T_r[...], k1b_r[...], K2T_r[...], k2b_r[...],
                    KUT_r[...], kub_r[...])
    rst_out[...] = Rst
    dinv = _dinv_of(deg_r)
    rs2_out[...] = (Rst * dinv).astype(jnp.bfloat16)


def _tc2_body(T_r, tf_r, deg_r, rst0_r, ay_r, WoT_r, bo_r, wh_r, bh_r, wt_r,
              bt_r, WsT_r, bs_r, C1_r, Kd0_r, RSaT_r, RSbT_r, rsb_r, HEaT_r,
              HEbT_r, heb_r, K1T_r, k1b_r, K2T_r, k2b_r, KUT_r, kub_r,
              rst_out, rs2_out):
    Tb = T_r[...]
    dinv = _dinv_of(deg_r)
    Dst = _diffusion(rst0_r[...], ay_r, dinv, Kd0_r[...])
    Tnew1 = _relu_bn(jnp.dot(Tb, RSaT_r[...], preferred_element_type=jnp.float32)
                     + jnp.dot(Dst, RSbT_r[...], preferred_element_type=jnp.float32)
                     + rsb_r[...])
    Thist, Tst = _prologue(Tb, tf_r[...], WoT_r[...], bo_r[...], wh_r[...],
                           bh_r[...], wt_r[...], bt_r[...], WsT_r[...],
                           bs_r[...])
    comb = Tst * C1_r[:, 0:1] + Tnew1 * C1_r[:, 1:2]
    Rst = _reaction(Thist, comb, HEaT_r[...], HEbT_r[...], heb_r[...],
                    K1T_r[...], k1b_r[...], K2T_r[...], k2b_r[...],
                    KUT_r[...], kub_r[...])
    rst_out[...] = Rst
    rs2_out[...] = (Rst * dinv).astype(jnp.bfloat16)


def _tc3_body(T_r, deg_r, rst1_r, ay_r, Kd1_r, RSaT_r, RSbT_r, rsb_r, WcT_r,
              bc_r, out_r):
    Tb = T_r[...]
    dinv = _dinv_of(deg_r)
    Dst = _diffusion(rst1_r[...], ay_r, dinv, Kd1_r[...])
    Tnew2 = _relu_bn(jnp.dot(Tb, RSaT_r[...], preferred_element_type=jnp.float32)
                     + jnp.dot(Dst, RSbT_r[...], preferred_element_type=jnp.float32)
                     + rsb_r[...])
    out_r[...] = (jnp.dot(Tnew2, WcT_r[...], preferred_element_type=jnp.float32)
                  + bc_r[...])


def _wspec(shape):
    nd = len(shape)
    return pl.BlockSpec(shape, lambda i: (0,) * nd)


def _rowspec(nb, d):
    return pl.BlockSpec((nb, d), lambda i: (i, 0))


def _degspec(nb):
    return pl.BlockSpec((2, nb, 1), lambda i: (0, i, 0))


def _ayspec(nb, nhid):
    return pl.BlockSpec((2, nb, nhid), lambda i: (0, i, 0))


def kernel(T, time_feature, edge_index, W_openHist, b_openHist, w_hist, b_hist,
           w_time, b_time, W_state, b_state, KR1_W, KR1_b, KR2_W, KR2_b,
           KRU0_W, KRU0_b, Kappa, HE_W, HE_b, RS_W, RS_b, C0, C1, W_close,
           b_close):
    N = T.shape[0]
    E = edge_index.shape[1]
    nin = T.shape[1]
    nhid = W_openHist.shape[0]
    hw = nhid // 2

    NB = 1000
    while N % NB:
        NB -= 8
    nblk = N // NB

    e_pad = _round_up(E, NC * NS * STEP * KCH)
    acc_rows = _round_up(N + 1, NS * 128)
    stripe = acc_rows // NS

    src = edge_index[0]
    dst = edge_index[1]
    pad = e_pad - E
    src_g = jnp.concatenate([src, jnp.zeros((pad,), jnp.int32)])
    dst_g = jnp.concatenate([dst, jnp.full((pad,), N, jnp.int32)])
    src_d = jnp.concatenate([src, jnp.full((pad,), N, jnp.int32)])

    f32 = jnp.float32
    WoT = W_openHist.T
    bo = b_openHist[None]
    wh = w_hist[None]
    bh = b_hist[None]
    wt = w_time[:, None]
    bt = b_time[None]
    WsT = W_state.T
    bs = b_state[None]
    C0m = C0[None].astype(f32)
    C1m = C1[None].astype(f32)
    Kd = jnp.clip(Kappa, 0.0, 1.0)
    HEaT = [(HE_W[i][:, :nhid] + HE_W[i][:, 2 * nhid:]).T for i in range(2)]
    HEbT = [HE_W[i][:, nhid:2 * nhid].T for i in range(2)]
    heb = [HE_b[i][None] for i in range(2)]
    K1T = [KR1_W[i].T for i in range(2)]
    k1b = [KR1_b[i][None] for i in range(2)]
    K2T = [KR2_W[i].T for i in range(2)]
    k2b = [KR2_b[i][None] for i in range(2)]
    KUT = [KRU0_W[i].T for i in range(2)]
    kub = [KRU0_b[i][None] for i in range(2)]
    RSaT = [RS_W[i][:, :nin].T for i in range(2)]
    RSbT = [RS_W[i][:, nin:].T for i in range(2)]
    rsb = [RS_b[i][None] for i in range(2)]
    WcT = W_close.T
    bc = b_close[None]

    tf2 = time_feature.reshape(N, -1)
    nfreq = tf2.shape[1]

    deg_p = _deg_call(src_d, acc_rows)
    deg_tc = deg_p[:, :, 0:1]

    cparams = pltpu.CompilerParams(dimension_semantics=("arbitrary",))

    w1 = [WoT, bo, wh, bh, wt, bt, WsT, bs, C0m, HEaT[0], HEbT[0], heb[0],
          K1T[0], k1b[0], K2T[0], k2b[0], KUT[0], kub[0]]
    rst0, rs0 = pl.pallas_call(
        _tc1_body,
        grid=(nblk,),
        in_specs=[_rowspec(NB, nin), _rowspec(NB, nfreq), _degspec(NB)]
                 + [_wspec(w.shape) for w in w1],
        out_specs=[_rowspec(NB, nhid), _rowspec(NB, nhid)],
        out_shape=[jax.ShapeDtypeStruct((N, nhid), f32),
                   jax.ShapeDtypeStruct((N, nhid), jnp.bfloat16)],
        compiler_params=cparams,
    )(T, tf2, deg_tc, *w1)

    ay0_tc = _lap_call(rs0, src_g, dst_g, acc_rows)

    w2 = [WoT, bo, wh, bh, wt, bt, WsT, bs, C1m, Kd[0:1], RSaT[0], RSbT[0],
          rsb[0], HEaT[1], HEbT[1], heb[1], K1T[1], k1b[1], K2T[1], k2b[1],
          KUT[1], kub[1]]
    rst1, rs1 = pl.pallas_call(
        _tc2_body,
        grid=(nblk,),
        in_specs=[_rowspec(NB, nin), _rowspec(NB, nfreq), _degspec(NB),
                  _rowspec(NB, nhid), _ayspec(NB, nhid)]
                 + [_wspec(w.shape) for w in w2],
        out_specs=[_rowspec(NB, nhid), _rowspec(NB, nhid)],
        out_shape=[jax.ShapeDtypeStruct((N, nhid), f32),
                   jax.ShapeDtypeStruct((N, nhid), jnp.bfloat16)],
        compiler_params=cparams,
    )(T, tf2, deg_tc, rst0, ay0_tc, *w2)

    ay1_tc = _lap_call(rs1, src_g, dst_g, acc_rows)

    nout = W_close.shape[0]
    w3 = [Kd[1:2], RSaT[1], RSbT[1], rsb[1], WcT, bc]
    out = pl.pallas_call(
        _tc3_body,
        grid=(nblk,),
        in_specs=[_rowspec(NB, nin), _degspec(NB), _rowspec(NB, nhid),
                  _ayspec(NB, nhid)] + [_wspec(w.shape) for w in w3],
        out_specs=_rowspec(NB, nout),
        out_shape=jax.ShapeDtypeStruct((N, nout), f32),
        compiler_params=cparams,
    )(T, deg_tc, rst1, ay1_tc, *w3)
    return out

# --- scband reference (transcript-rebuilt; emitter-appended) ---
"""Pipeline reference for scband-tdegnn-temporal-51445118271519 (READ-ONLY COPY).

The authoritative reference and input builder live on the scoring server;
editing this copy changes nothing except your own understanding.
"""

import jax, jax.numpy as jnp
import numpy as np

NLAYERS = 2
NHID = 64
NIN = 12
NOUT = 12
NFREQ2 = 20
N = 50000
E = 800000
H = 0.1
_EPS = 1e-5


def _bn(x):
    # eval-mode BatchNorm1d with default running stats (mean=0, var=1) and affine gamma=1, beta=0
    return x / jnp.sqrt(1.0 + _EPS)


def _eye_noise(k, n):
    return jnp.eye(n, dtype=jnp.float32) + 0.01 * jax.random.normal(k, (n, n), dtype=jnp.float32)


def _params(key):
    ks = [jax.random.fold_in(key, i) for i in range(32)]
    p = {}
    p['W_openHist'] = jax.random.normal(ks[0], (NHID, NIN), dtype=jnp.float32) / np.sqrt(NIN)
    p['b_openHist'] = jnp.zeros((NHID,), dtype=jnp.float32)
    p['w_hist'] = 0.5 * jax.random.normal(ks[1], (NHID,), dtype=jnp.float32)
    p['b_hist'] = jnp.zeros((NHID,), dtype=jnp.float32)
    p['w_time'] = jax.random.normal(ks[2], (NFREQ2,), dtype=jnp.float32) / np.sqrt(NFREQ2)
    p['b_time'] = jnp.zeros((1,), dtype=jnp.float32)
    p['W_state'] = jax.random.normal(ks[3], (NHID, 1), dtype=jnp.float32)
    p['b_state'] = jnp.zeros((NHID,), dtype=jnp.float32)
    p['KR1_W'] = jnp.stack([_eye_noise(ks[4 + i], NHID) for i in range(NLAYERS)])
    p['KR1_b'] = jnp.zeros((NLAYERS, NHID), dtype=jnp.float32)
    p['KR2_W'] = jnp.stack([_eye_noise(ks[8 + i], NHID) for i in range(NLAYERS)])
    p['KR2_b'] = jnp.zeros((NLAYERS, NHID), dtype=jnp.float32)
    p['KRU0_W'] = jnp.stack([_eye_noise(ks[12 + i], NHID) for i in range(NLAYERS)])
    p['KRU0_b'] = jnp.zeros((NLAYERS, NHID), dtype=jnp.float32)
    p['Kappa'] = 0.001 * jax.random.normal(ks[16], (NLAYERS, NHID), dtype=jnp.float32)
    p['HE_W'] = jax.random.normal(ks[17], (NLAYERS, NHID, 3 * NHID), dtype=jnp.float32) / np.sqrt(3 * NHID)
    p['HE_b'] = jnp.zeros((NLAYERS, NHID), dtype=jnp.float32)
    p['RS_W'] = jax.random.normal(ks[18], (NLAYERS, NHID, NIN + NHID), dtype=jnp.float32) / np.sqrt(NIN + NHID)
    p['RS_b'] = jnp.zeros((NLAYERS, NHID), dtype=jnp.float32)
    p['C0'] = jnp.array([1.0], dtype=jnp.float32)
    p['C1'] = jnp.array([0.0, 1.0], dtype=jnp.float32)
    p['W_close'] = jax.random.normal(ks[19], (NOUT, NHID), dtype=jnp.float32) / np.sqrt(NHID)
    p['b_close'] = jnp.zeros((NOUT,), dtype=jnp.float32)
    return p


def setup_inputs(seed: int = 0):
    key = jax.random.key(seed)
    inp = {}
    inp['T'] = jax.random.normal(jax.random.fold_in(key, 100), (N, NIN), dtype=jnp.float32)
    inp['time_feature'] = jax.random.normal(jax.random.fold_in(key, 101), (N, NFREQ2, 1), dtype=jnp.float32)
    inp['edge_index'] = jax.random.randint(jax.random.fold_in(key, 102), (2, E), 0, N, dtype=jnp.int32)
    inp.update(_params(jax.random.fold_in(key, 103)))
    return inp


def _forward(T, time_feature, W_openHist, b_openHist, w_hist, b_hist, w_time, b_time,
             W_state, b_state, KR1_W, KR1_b, KR2_W, KR2_b, KRU0_W, KRU0_b, Kappa,
             HE_W, HE_b, RS_W, RS_b, C0, C1, W_close, b_close, edge_index):
    src = edge_index[0]
    dst = edge_index[1]
    n = T.shape[0]
    deg = jax.ops.segment_sum(jnp.ones(src.shape[0], dtype=T.dtype), src, num_segments=n)
    dinv = jnp.where(deg > 0, 1.0 / jnp.sqrt(jnp.where(deg > 0, deg, 1.0)), 0.0)
    coef = (dinv[src] * dinv[dst])[:, None]

    def lap(Y):
        # sym-normalized graph Laplacian applied to node features: L Y = Y - D^-1/2 A D^-1/2 Y
        ay = jax.ops.segment_sum(Y[src] * coef, dst, num_segments=n)
        return Y - ay

    Thist = jax.nn.relu(_bn(T @ W_openHist.T + b_openHist))
    # Conv1d(1 -> nhid, kernel 1) over history axis, then eval BN + relu
    Themb = jax.nn.relu(_bn(T[:, None, :] * w_hist[None, :, None] + b_hist[None, :, None]))
    Themb = jnp.transpose(Themb, (2, 0, 1))  # [nin, N, nhid]
    Tstate = Themb[-1]
    T0Hist = Thist
    # initTimeEmbed: Conv1d(2*freqs -> 1, kernel 1) + silu, then project via KopenState
    te = jax.nn.silu(jnp.einsum('ncl,c->nl', time_feature, w_time) + b_time)  # [N, 1]
    Tstate = Tstate + te @ W_state.T + b_state
    Cs = [C0, C1]
    states = [Tstate]
    for i in range(NLAYERS):
        prev = states[-(i + 1):]
        comb = prev[0] * Cs[i][0]
        for j in range(1, i + 1):
            comb = comb + prev[j] * Cs[i][j]
        Tcat = jnp.concatenate([Thist, comb, T0Hist], axis=-1)
        Th_i = jax.nn.relu(_bn(Tcat @ HE_W[i].T + HE_b[i]))
        # reaction
        dT = Th_i @ KR1_W[i].T + KR1_b[i]
        dT = dT + T0Hist @ KRU0_W[i].T + KRU0_b[i]
        dT2 = Th_i @ KR2_W[i].T + KR2_b[i]
        dT = dT + comb * jnp.clip(dT2, -1.0, 1.0)  # hardtanh
        Rst = jax.nn.relu(_bn(comb + H * dT))
        # explicit diffusion step
        Kd = jnp.clip(Kappa[i], 0.0, 1.0)
        Dst = Rst - H * lap(Rst) * Kd
        Tnew = jax.nn.relu(_bn(jnp.concatenate([T, Dst], axis=-1) @ RS_W[i].T + RS_b[i]))
        states.append(Tnew)
    return states[-1] @ W_close.T + b_close


def reference(T, time_feature, edge_index, W_openHist, b_openHist, w_hist, b_hist,
              w_time, b_time, W_state, b_state, KR1_W, KR1_b, KR2_W, KR2_b,
              KRU0_W, KRU0_b, Kappa, HE_W, HE_b, RS_W, RS_b, C0, C1, W_close, b_close):
    return _forward(T, time_feature, W_openHist, b_openHist, w_hist, b_hist, w_time, b_time,
                    W_state, b_state, KR1_W, KR1_b, KR2_W, KR2_b, KRU0_W, KRU0_b, Kappa,
                    HE_W, HE_b, RS_W, RS_b, C0, C1, W_close, b_close, edge_index)

if __name__ == "__main__":
    import jax
    _d = setup_inputs()
    print(jax.jit(kernel)(*tuple(_d.values())))

</pallas_src>

<mosaic_0001>
#map = affine_map<(d0, d1) -> (0)>
#map1 = affine_map<(d0, d1) -> (0, 0, 0)>
module attributes {stable_mosaic.version = 14 : i64} {
  func.func @_deg_kernel(%arg0: i32, %arg1: i32, %arg2: memref<819200xi32, #tpu.memory_space<hbm>>, %arg3: memref<2x51200x32xf32, #tpu.memory_space<hbm>>, %arg4: memref<51200x32xf32, #tpu.memory_space<vmem_shared>>, %arg5: memref<1024xi32, #tpu.memory_space<vmem>>, %arg6: memref<128x32xf32, #tpu.memory_space<vmem>>, %arg7: memref<!tpu.dma_semaphore, #tpu.memory_space<semaphore_mem>>) attributes {dimension_semantics = [#tpu.dimension_semantics<core_parallel>, #tpu.dimension_semantics<subcore_parallel>], iteration_bounds = array<i64: 2, 16>, scalar_prefetch = 0 : i64, scratch_operands = 4 : i64, tpu.core_type = #tpu.core_type<sc_vector_subcore>, window_params = [{transform_indices = #map}, {transform_indices = #map1}]} {
    %broadcast_in_dim3A = arith.constant 0.000000e+00 : f32
    %broadcast_in_dim3A_0 = vector.broadcast %broadcast_in_dim3A : f32 to vector<16xf32>
    %scan3A = arith.constant 0 : i32
    %scan3A_1 = arith.constant 0 : i32
    %scan3A_2 = arith.constant 128 : i32
    %scan3A_3 = arith.addi %scan3A_1, %scan3A_2 : i32
    %scan3A_4 = arith.constant 1 : i32
    %scan3A_5 = scf.for %scan3A_138 = %scan3A_1 to %scan3A_3 step %scan3A_4 iter_args(%scan3A_139 = %scan3A) -> (i32)  : i32 {
      %swap3A = arith.index_cast %scan3A_138 : i32 to index
      %swap3A_140 = arith.constant 0 : index
      %swap3A_141 = tpu.vector_load %arg6[%swap3A, %swap3A_140] {strides = array<i32>} : memref<128x32xf32, #tpu.memory_space<vmem>>, vector<1x16xf32>,
      %swap3A_142 = vector.shape_cast %swap3A_141 : vector<1x16xf32> to vector<16xf32>
      %swap3A_143 = vector.shape_cast %broadcast_in_dim3A_0 : vector<16xf32> to vector<1x16xf32>
      tpu.vector_store %arg6[%swap3A, %swap3A_140], %swap3A_143 {strides = array<i32>} : memref<128x32xf32, #tpu.memory_space<vmem>>, vector<1x16xf32>,
      %swap3A_144 = arith.index_cast %scan3A_138 : i32 to index
      %swap3A_145 = arith.constant 16 : index
      %swap3A_146 = tpu.vector_load %arg6[%swap3A_144, %swap3A_145] {strides = array<i32>} : memref<128x32xf32, #tpu.memory_space<vmem>>, vector<1x16xf32>,
      %swap3A_147 = vector.shape_cast %swap3A_146 : vector<1x16xf32> to vector<16xf32>
      %swap3A_148 = vector.shape_cast %broadcast_in_dim3A_0 : vector<16xf32> to vector<1x16xf32>
      tpu.vector_store %arg6[%swap3A_144, %swap3A_145], %swap3A_148 {strides = array<i32>} : memref<128x32xf32, #tpu.memory_space<vmem>>, vector<1x16xf32>,
      %scan3A_149 = arith.constant 0 : i32
      scf.yield %scan3A_149 : i32
    }
    %scan3A_6 = arith.constant 128 : i32
    %mul3A = arith.constant 3200 : i32
    %mul3A_7 = arith.muli %arg1, %mul3A : i32
    %add3A = arith.constant 0 : i32
    %add3A_8 = arith.addi %mul3A_7, %add3A : i32
    "tpu.region"() ({
      %run_scoped3A = tpu.sem_alloc : memref<!tpu.dma_semaphore, #tpu.memory_space<semaphore_mem>>
      %dma_start3A = arith.constant 0 : i32
      %dma_start3A_138 = tpu.memref_slice %arg4[%add3A_8, %dma_start3A] : memref<51200x32xf32, #tpu.memory_space<vmem_shared>> -> memref<128x32xf32, #tpu.memory_space<vmem_shared>>
      %dma_start3A_139 = arith.constant 0 : i32
      %dma_start3A_140 = tpu.memref_slice %arg4[%add3A_8, %dma_start3A_139] : memref<51200x32xf32, #tpu.memory_space<vmem_shared>> -> memref<128x32xf32, #tpu.memory_space<vmem_shared>>
      tpu.enqueue_dma source(%arg6 : memref<128x32xf32, #tpu.memory_space<vmem>>) target(%dma_start3A_140 : memref<128x32xf32, #tpu.memory_space<vmem_shared>>) target_semaphore(%run_scoped3A : memref<!tpu.dma_semaphore, #tpu.memory_space<semaphore_mem>>)
      %dma_wait3A = arith.constant 0 : i32
      %dma_wait3A_141 = tpu.memref_slice %arg4[%add3A_8, %dma_wait3A] : memref<51200x32xf32, #tpu.memory_space<vmem_shared>> -> memref<128x32xf32, #tpu.memory_space<vmem_shared>>
      %dma_wait3A_142 = arith.constant 0 : i32
      %dma_wait3A_143 = tpu.memref_slice %arg4[%add3A_8, %dma_wait3A_142] : memref<51200x32xf32, #tpu.memory_space<vmem_shared>> -> memref<128x32xf32, #tpu.memory_space<vmem_shared>>
      tpu.wait_dma2 semaphore(%run_scoped3A : memref<!tpu.dma_semaphore, #tpu.memory_space<semaphore_mem>>) src(%arg6 : memref<128x32xf32, #tpu.memory_space<vmem>>) dst(%dma_wait3A_143 : memref<128x32xf32, #tpu.memory_space<vmem_shared>>)
      tpu.yield
    }) : () -> ()
    %mul3A_9 = arith.constant 3200 : i32
    %mul3A_10 = arith.muli %arg1, %mul3A_9 : i32
    %add3A_11 = arith.constant 128 : i32
    %add3A_12 = arith.addi %mul3A_10, %add3A_11 : i32
    "tpu.region"() ({
      %run_scoped3A = tpu.sem_alloc : memref<!tpu.dma_semaphore, #tpu.memory_space<semaphore_mem>>
      %dma_start3A = arith.constant 0 : i32
      %dma_start3A_138 = tpu.memref_slice %arg4[%add3A_12, %dma_start3A] : memref<51200x32xf32, #tpu.memory_space<vmem_shared>> -> memref<128x32xf32, #tpu.memory_space<vmem_shared>>
      %dma_start3A_139 = arith.constant 0 : i32
      %dma_start3A_140 = tpu.memref_slice %arg4[%add3A_12, %dma_start3A_139] : memref<51200x32xf32, #tpu.memory_space<vmem_shared>> -> memref<128x32xf32, #tpu.memory_space<vmem_shared>>
      tpu.enqueue_dma source(%arg6 : memref<128x32xf32, #tpu.memory_space<vmem>>) target(%dma_start3A_140 : memref<128x32xf32, #tpu.memory_space<vmem_shared>>) target_semaphore(%run_scoped3A : memref<!tpu.dma_semaphore, #tpu.memory_space<semaphore_mem>>)
      %dma_wait3A = arith.constant 0 : i32
      %dma_wait3A_141 = tpu.memref_slice %arg4[%add3A_12, %dma_wait3A] : memref<51200x32xf32, #tpu.memory_space<vmem_shared>> -> memref<128x32xf32, #tpu.memory_space<vmem_shared>>
      %dma_wait3A_142 = arith.constant 0 : i32
      %dma_wait3A_143 = tpu.memref_slice %arg4[%add3A_12, %dma_wait3A_142] : memref<51200x32xf32, #tpu.memory_space<vmem_shared>> -> memref<128x32xf32, #tpu.memory_space<vmem_shared>>
      tpu.wait_dma2 semaphore(%run_scoped3A : memref<!tpu.dma_semaphore, #tpu.memory_space<semaphore_mem>>) src(%arg6 : memref<128x32xf32, #tpu.memory_space<vmem>>) dst(%dma_wait3A_143 : memref<128x32xf32, #tpu.memory_space<vmem_shared>>)
      tpu.yield
    }) : () -> ()
    %mul3A_13 = arith.constant 3200 : i32
    %mul3A_14 = arith.muli %arg1, %mul3A_13 : i32
    %add3A_15 = arith.constant 256 : i32
    %add3A_16 = arith.addi %mul3A_14, %add3A_15 : i32
    "tpu.region"() ({
      %run_scoped3A = tpu.sem_alloc : memref<!tpu.dma_semaphore, #tpu.memory_space<semaphore_mem>>
      %dma_start3A = arith.constant 0 : i32
      %dma_start3A_138 = tpu.memref_slice %arg4[%add3A_16, %dma_start3A] : memref<51200x32xf32, #tpu.memory_space<vmem_shared>> -> memref<128x32xf32, #tpu.memory_space<vmem_shared>>
      %dma_start3A_139 = arith.constant 0 : i32
      %dma_start3A_140 = tpu.memref_slice %arg4[%add3A_16, %dma_start3A_139] : memref<51200x32xf32, #tpu.memory_space<vmem_shared>> -> memref<128x32xf32, #tpu.memory_space<vmem_shared>>
      tpu.enqueue_dma source(%arg6 : memref<128x32xf32, #tpu.memory_space<vmem>>) target(%dma_start3A_140 : memref<128x32xf32, #tpu.memory_space<vmem_shared>>) target_semaphore(%run_scoped3A : memref<!tpu.dma_semaphore, #tpu.memory_space<semaphore_mem>>)
      %dma_wait3A = arith.constant 0 : i32
      %dma_wait3A_141 = tpu.memref_slice %arg4[%add3A_16, %dma_wait3A] : memref<51200x32xf32, #tpu.memory_space<vmem_shared>> -> memref<128x32xf32, #tpu.memory_space<vmem_shared>>
      %dma_wait3A_142 = arith.constant 0 : i32
      %dma_wait3A_143 = tpu.memref_slice %arg4[%add3A_16, %dma_wait3A_142] : memref<51200x32xf32, #tpu.memory_space<vmem_shared>> -> memref<128x32xf32, #tpu.memory_space<vmem_shared>>
      tpu.wait_dma2 semaphore(%run_scoped3A : memref<!tpu.dma_semaphore, #tpu.memory_space<semaphore_mem>>) src(%arg6 : memref<128x32xf32, #tpu.memory_space<vmem>>) dst(%dma_wait3A_143 : memref<128x32xf32, #tpu.memory_space<vmem_shared>>)
      tpu.yield
    }) : () -> ()
    %mul3A_17 = arith.constant 3200 : i32
    %mul3A_18 = arith.muli %arg1, %mul3A_17 : i32
    %add3A_19 = arith.constant 384 : i32
    %add3A_20 = arith.addi %mul3A_18, %add3A_19 : i32
    "tpu.region"() ({
      %run_scoped3A = tpu.sem_alloc : memref<!tpu.dma_semaphore, #tpu.memory_space<semaphore_mem>>
      %dma_start3A = arith.constant 0 : i32
      %dma_start3A_138 = tpu.memref_slice %arg4[%add3A_20, %dma_start3A] : memref<51200x32xf32, #tpu.memory_space<vmem_shared>> -> memref<128x32xf32, #tpu.memory_space<vmem_shared>>
      %dma_start3A_139 = arith.constant 0 : i32
      %dma_start3A_140 = tpu.memref_slice %arg4[%add3A_20, %dma_start3A_139] : memref<51200x32xf32, #tpu.memory_space<vmem_shared>> -> memref<128x32xf32, #tpu.memory_space<vmem_shared>>
      tpu.enqueue_dma source(%arg6 : memref<128x32xf32, #tpu.memory_space<vmem>>) target(%dma_start3A_140 : memref<128x32xf32, #tpu.memory_space<vmem_shared>>) target_semaphore(%run_scoped3A : memref<!tpu.dma_semaphore, #tpu.memory_space<semaphore_mem>>)
      %dma_wait3A = arith.constant 0 : i32
      %dma_wait3A_141 = tpu.memref_slice %arg4[%add3A_20, %dma_wait3A] : memref<51200x32xf32, #tpu.memory_space<vmem_shared>> -> memref<128x32xf32, #tpu.memory_space<vmem_shared>>
      %dma_wait3A_142 = arith.constant 0 : i32
      %dma_wait3A_143 = tpu.memref_slice %arg4[%add3A_20, %dma_wait3A_142] : memref<51200x32xf32, #tpu.memory_space<vmem_shared>> -> memref<128x32xf32, #tpu.memory_space<vmem_shared>>
      tpu.wait_dma2 semaphore(%run_scoped3A : memref<!tpu.dma_semaphore, #tpu.memory_space<semaphore_mem>>) src(%arg6 : memref<128x32xf32, #tpu.memory_space<vmem>>) dst(%dma_wait3A_143 : memref<128x32xf32, #tpu.memory_space<vmem_shared>>)
      tpu.yield
    }) : () -> ()
    %mul3A_21 = arith.constant 3200 : i32
    %mul3A_22 = arith.muli %arg1, %mul3A_21 : i32
    %add3A_23 = arith.constant 512 : i32
    %add3A_24 = arith.addi %mul3A_22, %add3A_23 : i32
    "tpu.region"() ({
      %run_scoped3A = tpu.sem_alloc : memref<!tpu.dma_semaphore, #tpu.memory_space<semaphore_mem>>
      %dma_start3A = arith.constant 0 : i32
      %dma_start3A_138 = tpu.memref_slice %arg4[%add3A_24, %dma_start3A] : memref<51200x32xf32, #tpu.memory_space<vmem_shared>> -> memref<128x32xf32, #tpu.memory_space<vmem_shared>>
      %dma_start3A_139 = arith.constant 0 : i32
      %dma_start3A_140 = tpu.memref_slice %arg4[%add3A_24, %dma_start3A_139] : memref<51200x32xf32, #tpu.memory_space<vmem_shared>> -> memref<128x32xf32, #tpu.memory_space<vmem_shared>>
      tpu.enqueue_dma source(%arg6 : memref<128x32xf32, #tpu.memory_space<vmem>>) target(%dma_start3A_140 : memref<128x32xf32, #tpu.memory_space<vmem_shared>>) target_semaphore(%run_scoped3A : memref<!tpu.dma_semaphore, #tpu.memory_space<semaphore_mem>>)
      %dma_wait3A = arith.constant 0 : i32
      %dma_wait3A_141 = tpu.memref_slice %arg4[%add3A_24, %dma_wait3A] : memref<51200x32xf32, #tpu.memory_space<vmem_shared>> -> memref<128x32xf32, #tpu.memory_space<vmem_shared>>
      %dma_wait3A_142 = arith.constant 0 : i32
      %dma_wait3A_143 = tpu.memref_slice %arg4[%add3A_24, %dma_wait3A_142] : memref<51200x32xf32, #tpu.memory_space<vmem_shared>> -> memref<128x32xf32, #tpu.memory_space<vmem_shared>>
      tpu.wait_dma2 semaphore(%run_scoped3A : memref<!tpu.dma_semaphore, #tpu.memory_space<semaphore_mem>>) src(%arg6 : memref<128x32xf32, #tpu.memory_space<vmem>>) dst(%dma_wait3A_143 : memref<128x32xf32, #tpu.memory_space<vmem_shared>>)
      tpu.yield
    }) : () -> ()
    %mul3A_25 = arith.constant 3200 : i32
    %mul3A_26 = arith.muli %arg1, %mul3A_25 : i32
    %add3A_27 = arith.constant 640 : i32
    %add3A_28 = arith.addi %mul3A_26, %add3A_27 : i32
    "tpu.region"() ({
      %run_scoped3A = tpu.sem_alloc : memref<!tpu.dma_semaphore, #tpu.memory_space<semaphore_mem>>
      %dma_start3A = arith.constant 0 : i32
      %dma_start3A_138 = tpu.memref_slice %arg4[%add3A_28, %dma_start3A] : memref<51200x32xf32, #tpu.memory_space<vmem_shared>> -> memref<128x32xf32, #tpu.memory_space<vmem_shared>>
      %dma_start3A_139 = arith.constant 0 : i32
      %dma_start3A_140 = tpu.memref_slice %arg4[%add3A_28, %dma_start3A_139] : memref<51200x32xf32, #tpu.memory_space<vmem_shared>> -> memref<128x32xf32, #tpu.memory_space<vmem_shared>>
      tpu.enqueue_dma source(%arg6 : memref<128x32xf32, #tpu.memory_space<vmem>>) target(%dma_start3A_140 : memref<128x32xf32, #tpu.memory_space<vmem_shared>>) target_semaphore(%run_scoped3A : memref<!tpu.dma_semaphore, #tpu.memory_space<semaphore_mem>>)
      %dma_wait3A = arith.constant 0 : i32
      %dma_wait3A_141 = tpu.memref_slice %arg4[%add3A_28, %dma_wait3A] : memref<51200x32xf32, #tpu.memory_space<vmem_shared>> -> memref<128x32xf32, #tpu.memory_space<vmem_shared>>
      %dma_wait3A_142 = arith.constant 0 : i32
      %dma_wait3A_143 = tpu.memref_slice %arg4[%add3A_28, %dma_wait3A_142] : memref<51200x32xf32, #tpu.memory_space<vmem_shared>> -> memref<128x32xf32, #tpu.memory_space<vmem_shared>>
      tpu.wait_dma2 semaphore(%run_scoped3A : memref<!tpu.dma_semaphore, #tpu.memory_space<semaphore_mem>>) src(%arg6 : memref<128x32xf32, #tpu.memory_space<vmem>>) dst(%dma_wait3A_143 : memref<128x32xf32, #tpu.memory_space<vmem_shared>>)
      tpu.yield
    }) : () -> ()
    %mul3A_29 = arith.constant 3200 : i32
    %mul3A_30 = arith.muli %arg1, %mul3A_29 : i32
    %add3A_31 = arith.constant 768 : i32
    %add3A_32 = arith.addi %mul3A_30, %add3A_31 : i32
    "tpu.region"() ({
      %run_scoped3A = tpu.sem_alloc : memref<!tpu.dma_semaphore, #tpu.memory_space<semaphore_mem>>
      %dma_start3A = arith.constant 0 : i32
      %dma_start3A_138 = tpu.memref_slice %arg4[%add3A_32, %dma_start3A] : memref<51200x32xf32, #tpu.memory_space<vmem_shared>> -> memref<128x32xf32, #tpu.memory_space<vmem_shared>>
      %dma_start3A_139 = arith.constant 0 : i32
      %dma_start3A_140 = tpu.memref_slice %arg4[%add3A_32, %dma_start3A_139] : memref<51200x32xf32, #tpu.memory_space<vmem_shared>> -> memref<128x32xf32, #tpu.memory_space<vmem_shared>>
      tpu.enqueue_dma source(%arg6 : memref<128x32xf32, #tpu.memory_space<vmem>>) target(%dma_start3A_140 : memref<128x32xf32, #tpu.memory_space<vmem_shared>>) target_semaphore(%run_scoped3A : memref<!tpu.dma_semaphore, #tpu.memory_space<semaphore_mem>>)
      %dma_wait3A = arith.constant 0 : i32
      %dma_wait3A_141 = tpu.memref_slice %arg4[%add3A_32, %dma_wait3A] : memref<51200x32xf32, #tpu.memory_space<vmem_shared>> -> memref<128x32xf32, #tpu.memory_space<vmem_shared>>
      %dma_wait3A_142 = arith.constant 0 : i32
      %dma_wait3A_143 = tpu.memref_slice %arg4[%add3A_32, %dma_wait3A_142] : memref<51200x32xf32, #tpu.memory_space<vmem_shared>> -> memref<128x32xf32, #tpu.memory_space<vmem_shared>>
      tpu.wait_dma2 semaphore(%run_scoped3A : memref<!tpu.dma_semaphore, #tpu.memory_space<semaphore_mem>>) src(%arg6 : memref<128x32xf32, #tpu.memory_space<vmem>>) dst(%dma_wait3A_143 : memref<128x32xf32, #tpu.memory_space<vmem_shared>>)
      tpu.yield
    }) : () -> ()
    %mul3A_33 = arith.constant 3200 : i32
    %mul3A_34 = arith.muli %arg1, %mul3A_33 : i32
    %add3A_35 = arith.constant 896 : i32
    %add3A_36 = arith.addi %mul3A_34, %add3A_35 : i32
    "tpu.region"() ({
      %run_scoped3A = tpu.sem_alloc : memref<!tpu.dma_semaphore, #tpu.memory_space<semaphore_mem>>
      %dma_start3A = arith.constant 0 : i32
      %dma_start3A_138 = tpu.memref_slice %arg4[%add3A_36, %dma_start3A] : memref<51200x32xf32, #tpu.memory_space<vmem_shared>> -> memref<128x32xf32, #tpu.memory_space<vmem_shared>>
      %dma_start3A_139 = arith.constant 0 : i32
      %dma_start3A_140 = tpu.memref_slice %arg4[%add3A_36, %dma_start3A_139] : memref<51200x32xf32, #tpu.memory_space<vmem_shared>> -> memref<128x32xf32, #tpu.memory_space<vmem_shared>>
      tpu.enqueue_dma source(%arg6 : memref<128x32xf32, #tpu.memory_space<vmem>>) target(%dma_start3A_140 : memref<128x32xf32, #tpu.memory_space<vmem_shared>>) target_semaphore(%run_scoped3A : memref<!tpu.dma_semaphore, #tpu.memory_space<semaphore_mem>>)
      %dma_wait3A = arith.constant 0 : i32
      %dma_wait3A_141 = tpu.memref_slice %arg4[%add3A_36, %dma_wait3A] : memref<51200x32xf32, #tpu.memory_space<vmem_shared>> -> memref<128x32xf32, #tpu.memory_space<vmem_shared>>
      %dma_wait3A_142 = arith.constant 0 : i32
      %dma_wait3A_143 = tpu.memref_slice %arg4[%add3A_36, %dma_wait3A_142] : memref<51200x32xf32, #tpu.memory_space<vmem_shared>> -> memref<128x32xf32, #tpu.memory_space<vmem_shared>>
      tpu.wait_dma2 semaphore(%run_scoped3A : memref<!tpu.dma_semaphore, #tpu.memory_space<semaphore_mem>>) src(%arg6 : memref<128x32xf32, #tpu.memory_space<vmem>>) dst(%dma_wait3A_143 : memref<128x32xf32, #tpu.memory_space<vmem_shared>>)
      tpu.yield
    }) : () -> ()
    %mul3A_37 = arith.constant 3200 : i32
    %mul3A_38 = arith.muli %arg1, %mul3A_37 : i32
    %add3A_39 = arith.constant 1024 : i32
    %add3A_40 = arith.addi %mul3A_38, %add3A_39 : i32
    "tpu.region"() ({
      %run_scoped3A = tpu.sem_alloc : memref<!tpu.dma_semaphore, #tpu.memory_space<semaphore_mem>>
      %dma_start3A = arith.constant 0 : i32
      %dma_start3A_138 = tpu.memref_slice %arg4[%add3A_40, %dma_start3A] : memref<51200x32xf32, #tpu.memory_space<vmem_shared>> -> memref<128x32xf32, #tpu.memory_space<vmem_shared>>
      %dma_start3A_139 = arith.constant 0 : i32
      %dma_start3A_140 = tpu.memref_slice %arg4[%add3A_40, %dma_start3A_139] : memref<51200x32xf32, #tpu.memory_space<vmem_shared>> -> memref<128x32xf32, #tpu.memory_space<vmem_shared>>
      tpu.enqueue_dma source(%arg6 : memref<128x32xf32, #tpu.memory_space<vmem>>) target(%dma_start3A_140 : memref<128x32xf32, #tpu.memory_space<vmem_shared>>) target_semaphore(%run_scoped3A : memref<!tpu.dma_semaphore, #tpu.memory_space<semaphore_mem>>)
      %dma_wait3A = arith.constant 0 : i32
      %dma_wait3A_141 = tpu.memref_slice %arg4[%add3A_40, %dma_wait3A] : memref<51200x32xf32, #tpu.memory_space<vmem_shared>> -> memref<128x32xf32, #tpu.memory_space<vmem_shared>>
      %dma_wait3A_142 = arith.constant 0 : i32
      %dma_wait3A_143 = tpu.memref_slice %arg4[%add3A_40, %dma_wait3A_142] : memref<51200x32xf32, #tpu.memory_space<vmem_shared>> -> memref<128x32xf32, #tpu.memory_space<vmem_shared>>
      tpu.wait_dma2 semaphore(%run_scoped3A : memref<!tpu.dma_semaphore, #tpu.memory_space<semaphore_mem>>) src(%arg6 : memref<128x32xf32, #tpu.memory_space<vmem>>) dst(%dma_wait3A_143 : memref<128x32xf32, #tpu.memory_space<vmem_shared>>)
      tpu.yield
    }) : () -> ()
    %mul3A_41 = arith.constant 3200 : i32
    %mul3A_42 = arith.muli %arg1, %mul3A_41 : i32
    %add3A_43 = arith.constant 1152 : i32
    %add3A_44 = arith.addi %mul3A_42, %add3A_43 : i32
    "tpu.region"() ({
      %run_scoped3A = tpu.sem_alloc : memref<!tpu.dma_semaphore, #tpu.memory_space<semaphore_mem>>
      %dma_start3A = arith.constant 0 : i32
      %dma_start3A_138 = tpu.memref_slice %arg4[%add3A_44, %dma_start3A] : memref<51200x32xf32, #tpu.memory_space<vmem_shared>> -> memref<128x32xf32, #tpu.memory_space<vmem_shared>>
      %dma_start3A_139 = arith.constant 0 : i32
      %dma_start3A_140 = tpu.memref_slice %arg4[%add3A_44, %dma_start3A_139] : memref<51200x32xf32, #tpu.memory_space<vmem_shared>> -> memref<128x32xf32, #tpu.memory_space<vmem_shared>>
      tpu.enqueue_dma source(%arg6 : memref<128x32xf32, #tpu.memory_space<vmem>>) target(%dma_start3A_140 : memref<128x32xf32, #tpu.memory_space<vmem_shared>>) target_semaphore(%run_scoped3A : memref<!tpu.dma_semaphore, #tpu.memory_space<semaphore_mem>>)
      %dma_wait3A = arith.constant 0 : i32
      %dma_wait3A_141 = tpu.memref_slice %arg4[%add3A_44, %dma_wait3A] : memref<51200x32xf32, #tpu.memory_space<vmem_shared>> -> memref<128x32xf32, #tpu.memory_space<vmem_shared>>
      %dma_wait3A_142 = arith.constant 0 : i32
      %dma_wait3A_143 = tpu.memref_slice %arg4[%add3A_44, %dma_wait3A_142] : memref<51200x32xf32, #tpu.memory_space<vmem_shared>> -> memref<128x32xf32, #tpu.memory_space<vmem_shared>>
      tpu.wait_dma2 semaphore(%run_scoped3A : memref<!tpu.dma_semaphore, #tpu.memory_space<semaphore_mem>>) src(%arg6 : memref<128x32xf32, #tpu.memory_space<vmem>>) dst(%dma_wait3A_143 : memref<128x32xf32, #tpu.memory_space<vmem_shared>>)
      tpu.yield
    }) : () -> ()
    %mul3A_45 = arith.constant 3200 : i32
    %mul3A_46 = arith.muli %arg1, %mul3A_45 : i32
    %add3A_47 = arith.constant 1280 : i32
    %add3A_48 = arith.addi %mul3A_46, %add3A_47 : i32
    "tpu.region"() ({
      %run_scoped3A = tpu.sem_alloc : memref<!tpu.dma_semaphore, #tpu.memory_space<semaphore_mem>>
      %dma_start3A = arith.constant 0 : i32
      %dma_start3A_138 = tpu.memref_slice %arg4[%add3A_48, %dma_start3A] : memref<51200x32xf32, #tpu.memory_space<vmem_shared>> -> memref<128x32xf32, #tpu.memory_space<vmem_shared>>
      %dma_start3A_139 = arith.constant 0 : i32
      %dma_start3A_140 = tpu.memref_slice %arg4[%add3A_48, %dma_start3A_139] : memref<51200x32xf32, #tpu.memory_space<vmem_shared>> -> memref<128x32xf32, #tpu.memory_space<vmem_shared>>
      tpu.enqueue_dma source(%arg6 : memref<128x32xf32, #tpu.memory_space<vmem>>) target(%dma_start3A_140 : memref<128x32xf32, #tpu.memory_space<vmem_shared>>) target_semaphore(%run_scoped3A : memref<!tpu.dma_semaphore, #tpu.memory_space<semaphore_mem>>)
      %dma_wait3A = arith.constant 0 : i32
      %dma_wait3A_141 = tpu.memref_slice %arg4[%add3A_48, %dma_wait3A] : memref<51200x32xf32, #tpu.memory_space<vmem_shared>> -> memref<128x32xf32, #tpu.memory_space<vmem_shared>>
      %dma_wait3A_142 = arith.constant 0 : i32
      %dma_wait3A_143 = tpu.memref_slice %arg4[%add3A_48, %dma_wait3A_142] : memref<51200x32xf32, #tpu.memory_space<vmem_shared>> -> memref<128x32xf32, #tpu.memory_space<vmem_shared>>
      tpu.wait_dma2 semaphore(%run_scoped3A : memref<!tpu.dma_semaphore, #tpu.memory_space<semaphore_mem>>) src(%arg6 : memref<128x32xf32, #tpu.memory_space<vmem>>) dst(%dma_wait3A_143 : memref<128x32xf32, #tpu.memory_space<vmem_shared>>)
      tpu.yield
    }) : () -> ()
    %mul3A_49 = arith.constant 3200 : i32
    %mul3A_50 = arith.muli %arg1, %mul3A_49 : i32
    %add3A_51 = arith.constant 1408 : i32
    %add3A_52 = arith.addi %mul3A_50, %add3A_51 : i32
    "tpu.region"() ({
      %run_scoped3A = tpu.sem_alloc : memref<!tpu.dma_semaphore, #tpu.memory_space<semaphore_mem>>
      %dma_start3A = arith.constant 0 : i32
      %dma_start3A_138 = tpu.memref_slice %arg4[%add3A_52, %dma_start3A] : memref<51200x32xf32, #tpu.memory_space<vmem_shared>> -> memref<128x32xf32, #tpu.memory_space<vmem_shared>>
      %dma_start3A_139 = arith.constant 0 : i32
      %dma_start3A_140 = tpu.memref_slice %arg4[%add3A_52, %dma_start3A_139] : memref<51200x32xf32, #tpu.memory_space<vmem_shared>> -> memref<128x32xf32, #tpu.memory_space<vmem_shared>>
      tpu.enqueue_dma source(%arg6 : memref<128x32xf32, #tpu.memory_space<vmem>>) target(%dma_start3A_140 : memref<128x32xf32, #tpu.memory_space<vmem_shared>>) target_semaphore(%run_scoped3A : memref<!tpu.dma_semaphore, #tpu.memory_space<semaphore_mem>>)
      %dma_wait3A = arith.constant 0 : i32
      %dma_wait3A_141 = tpu.memref_slice %arg4[%add3A_52, %dma_wait3A] : memref<51200x32xf32, #tpu.memory_space<vmem_shared>> -> memref<128x32xf32, #tpu.memory_space<vmem_shared>>
      %dma_wait3A_142 = arith.constant 0 : i32
      %dma_wait3A_143 = tpu.memref_slice %arg4[%add3A_52, %dma_wait3A_142] : memref<51200x32xf32, #tpu.memory_space<vmem_shared>> -> memref<128x32xf32, #tpu.memory_space<vmem_shared>>
      tpu.wait_dma2 semaphore(%run_scoped3A : memref<!tpu.dma_semaphore, #tpu.memory_space<semaphore_mem>>) src(%arg6 : memref<128x32xf32, #tpu.memory_space<vmem>>) dst(%dma_wait3A_143 : memref<128x32xf32, #tpu.memory_space<vmem_shared>>)
      tpu.yield
    }) : () -> ()
    %mul3A_53 = arith.constant 3200 : i32
    %mul3A_54 = arith.muli %arg1, %mul3A_53 : i32
    %add3A_55 = arith.constant 1536 : i32
    %add3A_56 = arith.addi %mul3A_54, %add3A_55 : i32
    "tpu.region"() ({
      %run_scoped3A = tpu.sem_alloc : memref<!tpu.dma_semaphore, #tpu.memory_space<semaphore_mem>>
      %dma_start3A = arith.constant 0 : i32
      %dma_start3A_138 = tpu.memref_slice %arg4[%add3A_56, %dma_start3A] : memref<51200x32xf32, #tpu.memory_space<vmem_shared>> -> memref<128x32xf32, #tpu.memory_space<vmem_shared>>
      %dma_start3A_139 = arith.constant 0 : i32
      %dma_start3A_140 = tpu.memref_slice %arg4[%add3A_56, %dma_start3A_139] : memref<51200x32xf32, #tpu.memory_space<vmem_shared>> -> memref<128x32xf32, #tpu.memory_space<vmem_shared>>
      tpu.enqueue_dma source(%arg6 : memref<128x32xf32, #tpu.memory_space<vmem>>) target(%dma_start3A_140 : memref<128x32xf32, #tpu.memory_space<vmem_shared>>) target_semaphore(%run_scoped3A : memref<!tpu.dma_semaphore, #tpu.memory_space<semaphore_mem>>)
      %dma_wait3A = arith.constant 0 : i32
      %dma_wait3A_141 = tpu.memref_slice %arg4[%add3A_56, %dma_wait3A] : memref<51200x32xf32, #tpu.memory_space<vmem_shared>> -> memref<128x32xf32, #tpu.memory_space<vmem_shared>>
      %dma_wait3A_142 = arith.constant 0 : i32
      %dma_wait3A_143 = tpu.memref_slice %arg4[%add3A_56, %dma_wait3A_142] : memref<51200x32xf32, #tpu.memory_space<vmem_shared>> -> memref<128x32xf32, #tpu.memory_space<vmem_shared>>
      tpu.wait_dma2 semaphore(%run_scoped3A : memref<!tpu.dma_semaphore, #tpu.memory_space<semaphore_mem>>) src(%arg6 : memref<128x32xf32, #tpu.memory_space<vmem>>) dst(%dma_wait3A_143 : memref<128x32xf32, #tpu.memory_space<vmem_shared>>)
      tpu.yield
    }) : () -> ()
    %mul3A_57 = arith.constant 3200 : i32
    %mul3A_58 = arith.muli %arg1, %mul3A_57 : i32
    %add3A_59 = arith.constant 1664 : i32
    %add3A_60 = arith.addi %mul3A_58, %add3A_59 : i32
    "tpu.region"() ({
      %run_scoped3A = tpu.sem_alloc : memref<!tpu.dma_semaphore, #tpu.memory_space<semaphore_mem>>
      %dma_start3A = arith.constant 0 : i32
      %dma_start3A_138 = tpu.memref_slice %arg4[%add3A_60, %dma_start3A] : memref<51200x32xf32, #tpu.memory_space<vmem_shared>> -> memref<128x32xf32, #tpu.memory_space<vmem_shared>>
      %dma_start3A_139 = arith.constant 0 : i32
      %dma_start3A_140 = tpu.memref_slice %arg4[%add3A_60, %dma_start3A_139] : memref<51200x32xf32, #tpu.memory_space<vmem_shared>> -> memref<128x32xf32, #tpu.memory_space<vmem_shared>>
      tpu.enqueue_dma source(%arg6 : memref<128x32xf32, #tpu.memory_space<vmem>>) target(%dma_start3A_140 : memref<128x32xf32, #tpu.memory_space<vmem_shared>>) target_semaphore(%run_scoped3A : memref<!tpu.dma_semaphore, #tpu.memory_space<semaphore_mem>>)
      %dma_wait3A = arith.constant 0 : i32
      %dma_wait3A_141 = tpu.memref_slice %arg4[%add3A_60, %dma_wait3A] : memref<51200x32xf32, #tpu.memory_space<vmem_shared>> -> memref<128x32xf32, #tpu.memory_space<vmem_shared>>
      %dma_wait3A_142 = arith.constant 0 : i32
      %dma_wait3A_143 = tpu.memref_slice %arg4[%add3A_60, %dma_wait3A_142] : memref<51200x32xf32, #tpu.memory_space<vmem_shared>> -> memref<128x32xf32, #tpu.memory_space<vmem_shared>>
      tpu.wait_dma2 semaphore(%run_scoped3A : memref<!tpu.dma_semaphore, #tpu.memory_space<semaphore_mem>>) src(%arg6 : memref<128x32xf32, #tpu.memory_space<vmem>>) dst(%dma_wait3A_143 : memref<128x32xf32, #tpu.memory_space<vmem_shared>>)
      tpu.yield
    }) : () -> ()
    %mul3A_61 = arith.constant 3200 : i32
    %mul3A_62 = arith.muli %arg1, %mul3A_61 : i32
    %add3A_63 = arith.constant 1792 : i32
    %add3A_64 = arith.addi %mul3A_62, %add3A_63 : i32
    "tpu.region"() ({
      %run_scoped3A = tpu.sem_alloc : memref<!tpu.dma_semaphore, #tpu.memory_space<semaphore_mem>>
      %dma_start3A = arith.constant 0 : i32
      %dma_start3A_138 = tpu.memref_slice %arg4[%add3A_64, %dma_start3A] : memref<51200x32xf32, #tpu.memory_space<vmem_shared>> -> memref<128x32xf32, #tpu.memory_space<vmem_shared>>
      %dma_start3A_139 = arith.constant 0 : i32
      %dma_start3A_140 = tpu.memref_slice %arg4[%add3A_64, %dma_start3A_139] : memref<51200x32xf32, #tpu.memory_space<vmem_shared>> -> memref<128x32xf32, #tpu.memory_space<vmem_shared>>
      tpu.enqueue_dma source(%arg6 : memref<128x32xf32, #tpu.memory_space<vmem>>) target(%dma_start3A_140 : memref<128x32xf32, #tpu.memory_space<vmem_shared>>) target_semaphore(%run_scoped3A : memref<!tpu.dma_semaphore, #tpu.memory_space<semaphore_mem>>)
      %dma_wait3A = arith.constant 0 : i32
      %dma_wait3A_141 = tpu.memref_slice %arg4[%add3A_64, %dma_wait3A] : memref<51200x32xf32, #tpu.memory_space<vmem_shared>> -> memref<128x32xf32, #tpu.memory_space<vmem_shared>>
      %dma_wait3A_142 = arith.constant 0 : i32
      %dma_wait3A_143 = tpu.memref_slice %arg4[%add3A_64, %dma_wait3A_142] : memref<51200x32xf32, #tpu.memory_space<vmem_shared>> -> memref<128x32xf32, #tpu.memory_space<vmem_shared>>
      tpu.wait_dma2 semaphore(%run_scoped3A : memref<!tpu.dma_semaphore, #tpu.memory_space<semaphore_mem>>) src(%arg6 : memref<128x32xf32, #tpu.memory_space<vmem>>) dst(%dma_wait3A_143 : memref<128x32xf32, #tpu.memory_space<vmem_shared>>)
      tpu.yield
    }) : () -> ()
    %mul3A_65 = arith.constant 3200 : i32
    %mul3A_66 = arith.muli %arg1, %mul3A_65 : i32
    %add3A_67 = arith.constant 1920 : i32
    %add3A_68 = arith.addi %mul3A_66, %add3A_67 : i32
    "tpu.region"() ({
      %run_scoped3A = tpu.sem_alloc : memref<!tpu.dma_semaphore, #tpu.memory_space<semaphore_mem>>
      %dma_start3A = arith.constant 0 : i32
      %dma_start3A_138 = tpu.memref_slice %arg4[%add3A_68, %dma_start3A] : memref<51200x32xf32, #tpu.memory_space<vmem_shared>> -> memref<128x32xf32, #tpu.memory_space<vmem_shared>>
      %dma_start3A_139 = arith.constant 0 : i32
      %dma_start3A_140 = tpu.memref_slice %arg4[%add3A_68, %dma_start3A_139] : memref<51200x32xf32, #tpu.memory_space<vmem_shared>> -> memref<128x32xf32, #tpu.memory_space<vmem_shared>>
      tpu.enqueue_dma source(%arg6 : memref<128x32xf32, #tpu.memory_space<vmem>>) target(%dma_start3A_140 : memref<128x32xf32, #tpu.memory_space<vmem_shared>>) target_semaphore(%run_scoped3A : memref<!tpu.dma_semaphore, #tpu.memory_space<semaphore_mem>>)
      %dma_wait3A = arith.constant 0 : i32
      %dma_wait3A_141 = tpu.memref_slice %arg4[%add3A_68, %dma_wait3A] : memref<51200x32xf32, #tpu.memory_space<vmem_shared>> -> memref<128x32xf32, #tpu.memory_space<vmem_shared>>
      %dma_wait3A_142 = arith.constant 0 : i32
      %dma_wait3A_143 = tpu.memref_slice %arg4[%add3A_68, %dma_wait3A_142] : memref<51200x32xf32, #tpu.memory_space<vmem_shared>> -> memref<128x32xf32, #tpu.memory_space<vmem_shared>>
      tpu.wait_dma2 semaphore(%run_scoped3A : memref<!tpu.dma_semaphore, #tpu.memory_space<semaphore_mem>>) src(%arg6 : memref<128x32xf32, #tpu.memory_space<vmem>>) dst(%dma_wait3A_143 : memref<128x32xf32, #tpu.memory_space<vmem_shared>>)
      tpu.yield
    }) : () -> ()
    %mul3A_69 = arith.constant 3200 : i32
    %mul3A_70 = arith.muli %arg1, %mul3A_69 : i32
    %add3A_71 = arith.constant 2048 : i32
    %add3A_72 = arith.addi %mul3A_70, %add3A_71 : i32
    "tpu.region"() ({
      %run_scoped3A = tpu.sem_alloc : memref<!tpu.dma_semaphore, #tpu.memory_space<semaphore_mem>>
      %dma_start3A = arith.constant 0 : i32
      %dma_start3A_138 = tpu.memref_slice %arg4[%add3A_72, %dma_start3A] : memref<51200x32xf32, #tpu.memory_space<vmem_shared>> -> memref<128x32xf32, #tpu.memory_space<vmem_shared>>
      %dma_start3A_139 = arith.constant 0 : i32
      %dma_start3A_140 = tpu.memref_slice %arg4[%add3A_72, %dma_start3A_139] : memref<51200x32xf32, #tpu.memory_space<vmem_shared>> -> memref<128x32xf32, #tpu.memory_space<vmem_shared>>
      tpu.enqueue_dma source(%arg6 : memref<128x32xf32, #tpu.memory_space<vmem>>) target(%dma_start3A_140 : memref<128x32xf32, #tpu.memory_space<vmem_shared>>) target_semaphore(%run_scoped3A : memref<!tpu.dma_semaphore, #tpu.memory_space<semaphore_mem>>)
      %dma_wait3A = arith.constant 0 : i32
      %dma_wait3A_141 = tpu.memref_slice %arg4[%add3A_72, %dma_wait3A] : memref<51200x32xf32, #tpu.memory_space<vmem_shared>> -> memref<128x32xf32, #tpu.memory_space<vmem_shared>>
      %dma_wait3A_142 = arith.constant 0 : i32
      %dma_wait3A_143 = tpu.memref_slice %arg4[%add3A_72, %dma_wait3A_142] : memref<51200x32xf32, #tpu.memory_space<vmem_shared>> -> memref<128x32xf32, #tpu.memory_space<vmem_shared>>
      tpu.wait_dma2 semaphore(%run_scoped3A : memref<!tpu.dma_semaphore, #tpu.memory_space<semaphore_mem>>) src(%arg6 : memref<128x32xf32, #tpu.memory_space<vmem>>) dst(%dma_wait3A_143 : memref<128x32xf32, #tpu.memory_space<vmem_shared>>)
      tpu.yield
    }) : () -> ()
    %mul3A_73 = arith.constant 3200 : i32
    %mul3A_74 = arith.muli %arg1, %mul3A_73 : i32
    %add3A_75 = arith.constant 2176 : i32
    %add3A_76 = arith.addi %mul3A_74, %add3A_75 : i32
    "tpu.region"() ({
      %run_scoped3A = tpu.sem_alloc : memref<!tpu.dma_semaphore, #tpu.memory_space<semaphore_mem>>
      %dma_start3A = arith.constant 0 : i32
      %dma_start3A_138 = tpu.memref_slice %arg4[%add3A_76, %dma_start3A] : memref<51200x32xf32, #tpu.memory_space<vmem_shared>> -> memref<128x32xf32, #tpu.memory_space<vmem_shared>>
      %dma_start3A_139 = arith.constant 0 : i32
      %dma_start3A_140 = tpu.memref_slice %arg4[%add3A_76, %dma_start3A_139] : memref<51200x32xf32, #tpu.memory_space<vmem_shared>> -> memref<128x32xf32, #tpu.memory_space<vmem_shared>>
      tpu.enqueue_dma source(%arg6 : memref<128x32xf32, #tpu.memory_space<vmem>>) target(%dma_start3A_140 : memref<128x32xf32, #tpu.memory_space<vmem_shared>>) target_semaphore(%run_scoped3A : memref<!tpu.dma_semaphore, #tpu.memory_space<semaphore_mem>>)
      %dma_wait3A = arith.constant 0 : i32
      %dma_wait3A_141 = tpu.memref_slice %arg4[%add3A_76, %dma_wait3A] : memref<51200x32xf32, #tpu.memory_space<vmem_shared>> -> memref<128x32xf32, #tpu.memory_space<vmem_shared>>
      %dma_wait3A_142 = arith.constant 0 : i32
      %dma_wait3A_143 = tpu.memref_slice %arg4[%add3A_76, %dma_wait3A_142] : memref<51200x32xf32, #tpu.memory_space<vmem_shared>> -> memref<128x32xf32, #tpu.memory_space<vmem_shared>>
      tpu.wait_dma2 semaphore(%run_scoped3A : memref<!tpu.dma_semaphore, #tpu.memory_space<semaphore_mem>>) src(%arg6 : memref<128x32xf32, #tpu.memory_space<vmem>>) dst(%dma_wait3A_143 : memref<128x32xf32, #tpu.memory_space<vmem_shared>>)
      tpu.yield
    }) : () -> ()
    %mul3A_77 = arith.constant 3200 : i32
    %mul3A_78 = arith.muli %arg1, %mul3A_77 : i32
    %add3A_79 = arith.constant 2304 : i32
    %add3A_80 = arith.addi %mul3A_78, %add3A_79 : i32
    "tpu.region"() ({
      %run_scoped3A = tpu.sem_alloc : memref<!tpu.dma_semaphore, #tpu.memory_space<semaphore_mem>>
      %dma_start3A = arith.constant 0 : i32
      %dma_start3A_138 = tpu.memref_slice %arg4[%add3A_80, %dma_start3A] : memref<51200x32xf32, #tpu.memory_space<vmem_shared>> -> memref<128x32xf32, #tpu.memory_space<vmem_shared>>
      %dma_start3A_139 = arith.constant 0 : i32
      %dma_start3A_140 = tpu.memref_slice %arg4[%add3A_80, %dma_start3A_139] : memref<51200x32xf32, #tpu.memory_space<vmem_shared>> -> memref<128x32xf32, #tpu.memory_space<vmem_shared>>
      tpu.enqueue_dma source(%arg6 : memref<128x32xf32, #tpu.memory_space<vmem>>) target(%dma_start3A_140 : memref<128x32xf32, #tpu.memory_space<vmem_shared>>) target_semaphore(%run_scoped3A : memref<!tpu.dma_semaphore, #tpu.memory_space<semaphore_mem>>)
      %dma_wait3A = arith.constant 0 : i32
      %dma_wait3A_141 = tpu.memref_slice %arg4[%add3A_80, %dma_wait3A] : memref<51200x32xf32, #tpu.memory_space<vmem_shared>> -> memref<128x32xf32, #tpu.memory_space<vmem_shared>>
      %dma_wait3A_142 = arith.constant 0 : i32
      %dma_wait3A_143 = tpu.memref_slice %arg4[%add3A_80, %dma_wait3A_142] : memref<51200x32xf32, #tpu.memory_space<vmem_shared>> -> memref<128x32xf32, #tpu.memory_space<vmem_shared>>
      tpu.wait_dma2 semaphore(%run_scoped3A : memref<!tpu.dma_semaphore, #tpu.memory_space<semaphore_mem>>) src(%arg6 : memref<128x32xf32, #tpu.memory_space<vmem>>) dst(%dma_wait3A_143 : memref<128x32xf32, #tpu.memory_space<vmem_shared>>)
      tpu.yield
    }) : () -> ()
    %mul3A_81 = arith.constant 3200 : i32
    %mul3A_82 = arith.muli %arg1, %mul3A_81 : i32
    %add3A_83 = arith.constant 2432 : i32
    %add3A_84 = arith.addi %mul3A_82, %add3A_83 : i32
    "tpu.region"() ({
      %run_scoped3A = tpu.sem_alloc : memref<!tpu.dma_semaphore, #tpu.memory_space<semaphore_mem>>
      %dma_start3A = arith.constant 0 : i32
      %dma_start3A_138 = tpu.memref_slice %arg4[%add3A_84, %dma_start3A] : memref<51200x32xf32, #tpu.memory_space<vmem_shared>> -> memref<128x32xf32, #tpu.memory_space<vmem_shared>>
      %dma_start3A_139 = arith.constant 0 : i32
      %dma_start3A_140 = tpu.memref_slice %arg4[%add3A_84, %dma_start3A_139] : memref<51200x32xf32, #tpu.memory_space<vmem_shared>> -> memref<128x32xf32, #tpu.memory_space<vmem_shared>>
      tpu.enqueue_dma source(%arg6 : memref<128x32xf32, #tpu.memory_space<vmem>>) target(%dma_start3A_140 : memref<128x32xf32, #tpu.memory_space<vmem_shared>>) target_semaphore(%run_scoped3A : memref<!tpu.dma_semaphore, #tpu.memory_space<semaphore_mem>>)
      %dma_wait3A = arith.constant 0 : i32
      %dma_wait3A_141 = tpu.memref_slice %arg4[%add3A_84, %dma_wait3A] : memref<51200x32xf32, #tpu.memory_space<vmem_shared>> -> memref<128x32xf32, #tpu.memory_space<vmem_shared>>
      %dma_wait3A_142 = arith.constant 0 : i32
      %dma_wait3A_143 = tpu.memref_slice %arg4[%add3A_84, %dma_wait3A_142] : memref<51200x32xf32, #tpu.memory_space<vmem_shared>> -> memref<128x32xf32, #tpu.memory_space<vmem_shared>>
      tpu.wait_dma2 semaphore(%run_scoped3A : memref<!tpu.dma_semaphore, #tpu.memory_space<semaphore_mem>>) src(%arg6 : memref<128x32xf32, #tpu.memory_space<vmem>>) dst(%dma_wait3A_143 : memref<128x32xf32, #tpu.memory_space<vmem_shared>>)
      tpu.yield
    }) : () -> ()
    %mul3A_85 = arith.constant 3200 : i32
    %mul3A_86 = arith.muli %arg1, %mul3A_85 : i32
    %add3A_87 = arith.constant 2560 : i32
    %add3A_88 = arith.addi %mul3A_86, %add3A_87 : i32
    "tpu.region"() ({
      %run_scoped3A = tpu.sem_alloc : memref<!tpu.dma_semaphore, #tpu.memory_space<semaphore_mem>>
      %dma_start3A = arith.constant 0 : i32
      %dma_start3A_138 = tpu.memref_slice %arg4[%add3A_88, %dma_start3A] : memref<51200x32xf32, #tpu.memory_space<vmem_shared>> -> memref<128x32xf32, #tpu.memory_space<vmem_shared>>
      %dma_start3A_139 = arith.constant 0 : i32
      %dma_start3A_140 = tpu.memref_slice %arg4[%add3A_88, %dma_start3A_139] : memref<51200x32xf32, #tpu.memory_space<vmem_shared>> -> memref<128x32xf32, #tpu.memory_space<vmem_shared>>
      tpu.enqueue_dma source(%arg6 : memref<128x32xf32, #tpu.memory_space<vmem>>) target(%dma_start3A_140 : memref<128x32xf32, #tpu.memory_space<vmem_shared>>) target_semaphore(%run_scoped3A : memref<!tpu.dma_semaphore, #tpu.memory_space<semaphore_mem>>)
      %dma_wait3A = arith.constant 0 : i32
      %dma_wait3A_141 = tpu.memref_slice %arg4[%add3A_88, %dma_wait3A] : memref<51200x32xf32, #tpu.memory_space<vmem_shared>> -> memref<128x32xf32, #tpu.memory_space<vmem_shared>>
      %dma_wait3A_142 = arith.constant 0 : i32
      %dma_wait3A_143 = tpu.memref_slice %arg4[%add3A_88, %dma_wait3A_142] : memref<51200x32xf32, #tpu.memory_space<vmem_shared>> -> memref<128x32xf32, #tpu.memory_space<vmem_shared>>
      tpu.wait_dma2 semaphore(%run_scoped3A : memref<!tpu.dma_semaphore, #tpu.memory_space<semaphore_mem>>) src(%arg6 : memref<128x32xf32, #tpu.memory_space<vmem>>) dst(%dma_wait3A_143 : memref<128x32xf32, #tpu.memory_space<vmem_shared>>)
      tpu.yield
    }) : () -> ()
    %mul3A_89 = arith.constant 3200 : i32
    %mul3A_90 = arith.muli %arg1, %mul3A_89 : i32
    %add3A_91 = arith.constant 2688 : i32
    %add3A_92 = arith.addi %mul3A_90, %add3A_91 : i32
    "tpu.region"() ({
      %run_scoped3A = tpu.sem_alloc : memref<!tpu.dma_semaphore, #tpu.memory_space<semaphore_mem>>
      %dma_start3A = arith.constant 0 : i32
      %dma_start3A_138 = tpu.memref_slice %arg4[%add3A_92, %dma_start3A] : memref<51200x32xf32, #tpu.memory_space<vmem_shared>> -> memref<128x32xf32, #tpu.memory_space<vmem_shared>>
      %dma_start3A_139 = arith.constant 0 : i32
      %dma_start3A_140 = tpu.memref_slice %arg4[%add3A_92, %dma_start3A_139] : memref<51200x32xf32, #tpu.memory_space<vmem_shared>> -> memref<128x32xf32, #tpu.memory_space<vmem_shared>>
      tpu.enqueue_dma source(%arg6 : memref<128x32xf32, #tpu.memory_space<vmem>>) target(%dma_start3A_140 : memref<128x32xf32, #tpu.memory_space<vmem_shared>>) target_semaphore(%run_scoped3A : memref<!tpu.dma_semaphore, #tpu.memory_space<semaphore_mem>>)
      %dma_wait3A = arith.constant 0 : i32
      %dma_wait3A_141 = tpu.memref_slice %arg4[%add3A_92, %dma_wait3A] : memref<51200x32xf32, #tpu.memory_space<vmem_shared>> -> memref<128x32xf32, #tpu.memory_space<vmem_shared>>
      %dma_wait3A_142 = arith.constant 0 : i32
      %dma_wait3A_143 = tpu.memref_slice %arg4[%add3A_92, %dma_wait3A_142] : memref<51200x32xf32, #tpu.memory_space<vmem_shared>> -> memref<128x32xf32, #tpu.memory_space<vmem_shared>>
      tpu.wait_dma2 semaphore(%run_scoped3A : memref<!tpu.dma_semaphore, #tpu.memory_space<semaphore_mem>>) src(%arg6 : memref<128x32xf32, #tpu.memory_space<vmem>>) dst(%dma_wait3A_143 : memref<128x32xf32, #tpu.memory_space<vmem_shared>>)
      tpu.yield
    }) : () -> ()
    %mul3A_93 = arith.constant 3200 : i32
    %mul3A_94 = arith.muli %arg1, %mul3A_93 : i32
    %add3A_95 = arith.constant 2816 : i32
    %add3A_96 = arith.addi %mul3A_94, %add3A_95 : i32
    "tpu.region"() ({
      %run_scoped3A = tpu.sem_alloc : memref<!tpu.dma_semaphore, #tpu.memory_space<semaphore_mem>>
      %dma_start3A = arith.constant 0 : i32
      %dma_start3A_138 = tpu.memref_slice %arg4[%add3A_96, %dma_start3A] : memref<51200x32xf32, #tpu.memory_space<vmem_shared>> -> memref<128x32xf32, #tpu.memory_space<vmem_shared>>
      %dma_start3A_139 = arith.constant 0 : i32
      %dma_start3A_140 = tpu.memref_slice %arg4[%add3A_96, %dma_start3A_139] : memref<51200x32xf32, #tpu.memory_space<vmem_shared>> -> memref<128x32xf32, #tpu.memory_space<vmem_shared>>
      tpu.enqueue_dma source(%arg6 : memref<128x32xf32, #tpu.memory_space<vmem>>) target(%dma_start3A_140 : memref<128x32xf32, #tpu.memory_space<vmem_shared>>) target_semaphore(%run_scoped3A : memref<!tpu.dma_semaphore, #tpu.memory_space<semaphore_mem>>)
      %dma_wait3A = arith.constant 0 : i32
      %dma_wait3A_141 = tpu.memref_slice %arg4[%add3A_96, %dma_wait3A] : memref<51200x32xf32, #tpu.memory_space<vmem_shared>> -> memref<128x32xf32, #tpu.memory_space<vmem_shared>>
      %dma_wait3A_142 = arith.constant 0 : i32
      %dma_wait3A_143 = tpu.memref_slice %arg4[%add3A_96, %dma_wait3A_142] : memref<51200x32xf32, #tpu.memory_space<vmem_shared>> -> memref<128x32xf32, #tpu.memory_space<vmem_shared>>
      tpu.wait_dma2 semaphore(%run_scoped3A : memref<!tpu.dma_semaphore, #tpu.memory_space<semaphore_mem>>) src(%arg6 : memref<128x32xf32, #tpu.memory_space<vmem>>) dst(%dma_wait3A_143 : memref<128x32xf32, #tpu.memory_space<vmem_shared>>)
      tpu.yield
    }) : () -> ()
    %mul3A_97 = arith.constant 3200 : i32
    %mul3A_98 = arith.muli %arg1, %mul3A_97 : i32
    %add3A_99 = arith.constant 2944 : i32
    %add3A_100 = arith.addi %mul3A_98, %add3A_99 : i32
    "tpu.region"() ({
      %run_scoped3A = tpu.sem_alloc : memref<!tpu.dma_semaphore, #tpu.memory_space<semaphore_mem>>
      %dma_start3A = arith.constant 0 : i32
      %dma_start3A_138 = tpu.memref_slice %arg4[%add3A_100, %dma_start3A] : memref<51200x32xf32, #tpu.memory_space<vmem_shared>> -> memref<128x32xf32, #tpu.memory_space<vmem_shared>>
      %dma_start3A_139 = arith.constant 0 : i32
      %dma_start3A_140 = tpu.memref_slice %arg4[%add3A_100, %dma_start3A_139] : memref<51200x32xf32, #tpu.memory_space<vmem_shared>> -> memref<128x32xf32, #tpu.memory_space<vmem_shared>>
      tpu.enqueue_dma source(%arg6 : memref<128x32xf32, #tpu.memory_space<vmem>>) target(%dma_start3A_140 : memref<128x32xf32, #tpu.memory_space<vmem_shared>>) target_semaphore(%run_scoped3A : memref<!tpu.dma_semaphore, #tpu.memory_space<semaphore_mem>>)
      %dma_wait3A = arith.constant 0 : i32
      %dma_wait3A_141 = tpu.memref_slice %arg4[%add3A_100, %dma_wait3A] : memref<51200x32xf32, #tpu.memory_space<vmem_shared>> -> memref<128x32xf32, #tpu.memory_space<vmem_shared>>
      %dma_wait3A_142 = arith.constant 0 : i32
      %dma_wait3A_143 = tpu.memref_slice %arg4[%add3A_100, %dma_wait3A_142] : memref<51200x32xf32, #tpu.memory_space<vmem_shared>> -> memref<128x32xf32, #tpu.memory_space<vmem_shared>>
      tpu.wait_dma2 semaphore(%run_scoped3A : memref<!tpu.dma_semaphore, #tpu.memory_space<semaphore_mem>>) src(%arg6 : memref<128x32xf32, #tpu.memory_space<vmem>>) dst(%dma_wait3A_143 : memref<128x32xf32, #tpu.memory_space<vmem_shared>>)
      tpu.yield
    }) : () -> ()
    %mul3A_101 = arith.constant 3200 : i32
    %mul3A_102 = arith.muli %arg1, %mul3A_101 : i32
    %add3A_103 = arith.constant 3072 : i32
    %add3A_104 = arith.addi %mul3A_102, %add3A_103 : i32
    "tpu.region"() ({
      %run_scoped3A = tpu.sem_alloc : memref<!tpu.dma_semaphore, #tpu.memory_space<semaphore_mem>>
      %dma_start3A = arith.constant 0 : i32
      %dma_start3A_138 = tpu.memref_slice %arg4[%add3A_104, %dma_start3A] : memref<51200x32xf32, #tpu.memory_space<vmem_shared>> -> memref<128x32xf32, #tpu.memory_space<vmem_shared>>
      %dma_start3A_139 = arith.constant 0 : i32
      %dma_start3A_140 = tpu.memref_slice %arg4[%add3A_104, %dma_start3A_139] : memref<51200x32xf32, #tpu.memory_space<vmem_shared>> -> memref<128x32xf32, #tpu.memory_space<vmem_shared>>
      tpu.enqueue_dma source(%arg6 : memref<128x32xf32, #tpu.memory_space<vmem>>) target(%dma_start3A_140 : memref<128x32xf32, #tpu.memory_space<vmem_shared>>) target_semaphore(%run_scoped3A : memref<!tpu.dma_semaphore, #tpu.memory_space<semaphore_mem>>)
      %dma_wait3A = arith.constant 0 : i32
      %dma_wait3A_141 = tpu.memref_slice %arg4[%add3A_104, %dma_wait3A] : memref<51200x32xf32, #tpu.memory_space<vmem_shared>> -> memref<128x32xf32, #tpu.memory_space<vmem_shared>>
      %dma_wait3A_142 = arith.constant 0 : i32
      %dma_wait3A_143 = tpu.memref_slice %arg4[%add3A_104, %dma_wait3A_142] : memref<51200x32xf32, #tpu.memory_space<vmem_shared>> -> memref<128x32xf32, #tpu.memory_space<vmem_shared>>
      tpu.wait_dma2 semaphore(%run_scoped3A : memref<!tpu.dma_semaphore, #tpu.memory_space<semaphore_mem>>) src(%arg6 : memref<128x32xf32, #tpu.memory_space<vmem>>) dst(%dma_wait3A_143 : memref<128x32xf32, #tpu.memory_space<vmem_shared>>)
      tpu.yield
    }) : () -> ()
    %broadcast_in_dim3A_105 = arith.constant 1.000000e+00 : f32
    %broadcast_in_dim3A_106 = vector.broadcast %broadcast_in_dim3A_105 : f32 to vector<16xf32>
    %scan3A_107 = arith.constant 0 : i32
    %scan3A_108 = arith.constant 0 : i32
    %scan3A_109 = arith.constant 128 : i32
    %scan3A_110 = arith.addi %scan3A_108, %scan3A_109 : i32
    %scan3A_111 = arith.constant 1 : i32
    %scan3A_112 = scf.for %scan3A_138 = %scan3A_108 to %scan3A_110 step %scan3A_111 iter_args(%scan3A_139 = %scan3A_107) -> (i32)  : i32 {
      %swap3A = arith.index_cast %scan3A_138 : i32 to index
      %swap3A_140 = arith.constant 0 : index
      %swap3A_141 = tpu.vector_load %arg6[%swap3A, %swap3A_140] {strides = array<i32>} : memref<128x32xf32, #tpu.memory_space<vmem>>, vector<1x16xf32>,
      %swap3A_142 = vector.shape_cast %swap3A_141 : vector<1x16xf32> to vector<16xf32>
      %swap3A_143 = vector.shape_cast %broadcast_in_dim3A_106 : vector<16xf32> to vector<1x16xf32>
      tpu.vector_store %arg6[%swap3A, %swap3A_140], %swap3A_143 {strides = array<i32>} : memref<128x32xf32, #tpu.memory_space<vmem>>, vector<1x16xf32>,
      %swap3A_144 = arith.index_cast %scan3A_138 : i32 to index
      %swap3A_145 = arith.constant 16 : index
      %swap3A_146 = tpu.vector_load %arg6[%swap3A_144, %swap3A_145] {strides = array<i32>} : memref<128x32xf32, #tpu.memory_space<vmem>>, vector<1x16xf32>,
      %swap3A_147 = vector.shape_cast %swap3A_146 : vector<1x16xf32> to vector<16xf32>
      %swap3A_148 = vector.shape_cast %broadcast_in_dim3A_106 : vector<16xf32> to vector<1x16xf32>
      tpu.vector_store %arg6[%swap3A_144, %swap3A_145], %swap3A_148 {strides = array<i32>} : memref<128x32xf32, #tpu.memory_space<vmem>>, vector<1x16xf32>,
      %scan3A_149 = arith.constant 0 : i32
      scf.yield %scan3A_149 : i32
    }
    %scan3A_113 = arith.constant 128 : i32
    %barrier3A = arith.constant 0 : index
    tpu.barrier barrier_id(%barrier3A)
    %mul3A_114 = arith.constant 16 : i32
    %mul3A_115 = arith.muli %arg0, %mul3A_114 : i32
    %add3A_116 = arith.addi %mul3A_115, %arg1 : i32
    %mul3A_117 = arith.constant 200 : i32
    %mul3A_118 = arith.muli %add3A_116, %mul3A_117 : i32
    %mul3A_119 = arith.constant 128 : i32
    %mul3A_120 = arith.muli %mul3A_118, %mul3A_119 : i32
    %scan3A_121 = arith.constant 0 : i32
    %scan3A_122 = arith.constant 0 : i32
    %scan3A_123 = arith.constant 25 : i32
    %scan3A_124 = arith.addi %scan3A_122, %scan3A_123 : i32
    %scan3A_125 = arith.constant 1 : i32
    %scan3A_126 = scf.for %scan3A_138 = %scan3A_122 to %scan3A_124 step %scan3A_125 iter_args(%scan3A_139 = %scan3A_121) -> (i32)  : i32 {
      %mul3A_140 = arith.constant 1024 : i32
      %mul3A_141 = arith.muli %scan3A_138, %mul3A_140 : i32
      %add3A_142 = arith.addi %mul3A_120, %mul3A_141 : i32
      "tpu.region"() ({
        %run_scoped3A = tpu.sem_alloc : memref<!tpu.dma_semaphore, #tpu.memory_space<semaphore_mem>>
        %dma_start3A_222 = tpu.memref_slice %arg2[%add3A_142] : memref<819200xi32, #tpu.memory_space<hbm>> -> memref<1024xi32, #tpu.memory_space<hbm>>
        %dma_start3A_223 = tpu.memref_slice %arg2[%add3A_142] : memref<819200xi32, #tpu.memory_space<hbm>> -> memref<1024xi32, #tpu.memory_space<hbm>>
        tpu.enqueue_dma source(%dma_start3A_223 : memref<1024xi32, #tpu.memory_space<hbm>>) target(%arg5 : memref<1024xi32, #tpu.memory_space<vmem>>) target_semaphore(%run_scoped3A : memref<!tpu.dma_semaphore, #tpu.memory_space<semaphore_mem>>)
        %dma_wait3A_224 = tpu.memref_slice %arg2[%add3A_142] : memref<819200xi32, #tpu.memory_space<hbm>> -> memref<1024xi32, #tpu.memory_space<hbm>>
        %dma_wait3A_225 = tpu.memref_slice %arg2[%add3A_142] : memref<819200xi32, #tpu.memory_space<hbm>> -> memref<1024xi32, #tpu.memory_space<hbm>>
        tpu.wait_dma2 semaphore(%run_scoped3A : memref<!tpu.dma_semaphore, #tpu.memory_space<semaphore_mem>>) src(%dma_wait3A_225 : memref<1024xi32, #tpu.memory_space<hbm>>) dst(%arg5 : memref<1024xi32, #tpu.memory_space<vmem>>)
        tpu.yield
      }) : () -> ()
      %dma_start3A = arith.constant 0 : i32
      %dma_start3A_143 = tpu.memref_slice %arg5[%dma_start3A] : memref<1024xi32, #tpu.memory_space<vmem>> -> memref<128xi32, #tpu.memory_space<vmem>>
      %dma_start3A_144 = arith.constant 0 : i32
      %dma_start3A_145 = arith.constant 0 : i32
      %dma_start3A_146 = tpu.memref_slice %arg4[%dma_start3A_144, %dma_start3A_145] : memref<51200x32xf32, #tpu.memory_space<vmem_shared>> -> memref<51200x32xf32, #tpu.memory_space<vmem_shared>>
      tpu.enqueue_indirect_dma source(%arg6 : memref<128x32xf32, #tpu.memory_space<vmem>>) target(%dma_start3A_146 : memref<51200x32xf32, #tpu.memory_space<vmem_shared>>) offsets(%dma_start3A_143 : memref<128xi32, #tpu.memory_space<vmem>>) semaphore(%arg7 : memref<!tpu.dma_semaphore, #tpu.memory_space<semaphore_mem>>) {add = true}
      %dma_start3A_147 = arith.constant 128 : i32
      %dma_start3A_148 = tpu.memref_slice %arg5[%dma_start3A_147] : memref<1024xi32, #tpu.memory_space<vmem>> -> memref<128xi32, #tpu.memory_space<vmem>>
      %dma_start3A_149 = arith.constant 0 : i32
      %dma_start3A_150 = arith.constant 0 : i32
      %dma_start3A_151 = tpu.memref_slice %arg4[%dma_start3A_149, %dma_start3A_150] : memref<51200x32xf32, #tpu.memory_space<vmem_shared>> -> memref<51200x32xf32, #tpu.memory_space<vmem_shared>>
      tpu.enqueue_indirect_dma source(%arg6 : memref<128x32xf32, #tpu.memory_space<vmem>>) target(%dma_start3A_151 : memref<51200x32xf32, #tpu.memory_space<vmem_shared>>) offsets(%dma_start3A_148 : memref<128xi32, #tpu.memory_space<vmem>>) semaphore(%arg7 : memref<!tpu.dma_semaphore, #tpu.memory_space<semaphore_mem>>) {add = true}
      %dma_start3A_152 = arith.constant 256 : i32
      %dma_start3A_153 = tpu.memref_slice %arg5[%dma_start3A_152] : memref<1024xi32, #tpu.memory_space<vmem>> -> memref<128xi32, #tpu.memory_space<vmem>>
      %dma_start3A_154 = arith.constant 0 : i32
      %dma_start3A_155 = arith.constant 0 : i32
      %dma_start3A_156 = tpu.memref_slice %arg4[%dma_start3A_154, %dma_start3A_155] : memref<51200x32xf32, #tpu.memory_space<vmem_shared>> -> memref<51200x32xf32, #tpu.memory_space<vmem_shared>>
      tpu.enqueue_indirect_dma source(%arg6 : memref<128x32xf32, #tpu.memory_space<vmem>>) target(%dma_start3A_156 : memref<51200x32xf32, #tpu.memory_space<vmem_shared>>) offsets(%dma_start3A_153 : memref<128xi32, #tpu.memory_space<vmem>>) semaphore(%arg7 : memref<!tpu.dma_semaphore, #tpu.memory_space<semaphore_mem>>) {add = true}
      %dma_start3A_157 = arith.constant 384 : i32
      %dma_start3A_158 = tpu.memref_slice %arg5[%dma_start3A_157] : memref<1024xi32, #tpu.memory_space<vmem>> -> memref<128xi32, #tpu.memory_space<vmem>>
      %dma_start3A_159 = arith.constant 0 : i32
      %dma_start3A_160 = arith.constant 0 : i32
      %dma_start3A_161 = tpu.memref_slice %arg4[%dma_start3A_159, %dma_start3A_160] : memref<51200x32xf32, #tpu.memory_space<vmem_shared>> -> memref<51200x32xf32, #tpu.memory_space<vmem_shared>>
      tpu.enqueue_indirect_dma source(%arg6 : memref<128x32xf32, #tpu.memory_space<vmem>>) target(%dma_start3A_161 : memref<51200x32xf32, #tpu.memory_space<vmem_shared>>) offsets(%dma_start3A_158 : memref<128xi32, #tpu.memory_space<vmem>>) semaphore(%arg7 : memref<!tpu.dma_semaphore, #tpu.memory_space<semaphore_mem>>) {add = true}
      %dma_start3A_162 = arith.constant 512 : i32
      %dma_start3A_163 = tpu.memref_slice %arg5[%dma_start3A_162] : memref<1024xi32, #tpu.memory_space<vmem>> -> memref<128xi32, #tpu.memory_space<vmem>>
      %dma_start3A_164 = arith.constant 0 : i32
      %dma_start3A_165 = arith.constant 0 : i32
      %dma_start3A_166 = tpu.memref_slice %arg4[%dma_start3A_164, %dma_start3A_165] : memref<51200x32xf32, #tpu.memory_space<vmem_shared>> -> memref<51200x32xf32, #tpu.memory_space<vmem_shared>>
      tpu.enqueue_indirect_dma source(%arg6 : memref<128x32xf32, #tpu.memory_space<vmem>>) target(%dma_start3A_166 : memref<51200x32xf32, #tpu.memory_space<vmem_shared>>) offsets(%dma_start3A_163 : memref<128xi32, #tpu.memory_space<vmem>>) semaphore(%arg7 : memref<!tpu.dma_semaphore, #tpu.memory_space<semaphore_mem>>) {add = true}
      %dma_start3A_167 = arith.constant 640 : i32
      %dma_start3A_168 = tpu.memref_slice %arg5[%dma_start3A_167] : memref<1024xi32, #tpu.memory_space<vmem>> -> memref<128xi32, #tpu.memory_space<vmem>>
      %dma_start3A_169 = arith.constant 0 : i32
      %dma_start3A_170 = arith.constant 0 : i32
      %dma_start3A_171 = tpu.memref_slice %arg4[%dma_start3A_169, %dma_start3A_170] : memref<51200x32xf32, #tpu.memory_space<vmem_shared>> -> memref<51200x32xf32, #tpu.memory_space<vmem_shared>>
      tpu.enqueue_indirect_dma source(%arg6 : memref<128x32xf32, #tpu.memory_space<vmem>>) target(%dma_start3A_171 : memref<51200x32xf32, #tpu.memory_space<vmem_shared>>) offsets(%dma_start3A_168 : memref<128xi32, #tpu.memory_space<vmem>>) semaphore(%arg7 : memref<!tpu.dma_semaphore, #tpu.memory_space<semaphore_mem>>) {add = true}
      %dma_start3A_172 = arith.constant 768 : i32
      %dma_start3A_173 = tpu.memref_slice %arg5[%dma_start3A_172] : memref<1024xi32, #tpu.memory_space<vmem>> -> memref<128xi32, #tpu.memory_space<vmem>>
      %dma_start3A_174 = arith.constant 0 : i32
      %dma_start3A_175 = arith.constant 0 : i32
      %dma_start3A_176 = tpu.memref_slice %arg4[%dma_start3A_174, %dma_start3A_175] : memref<51200x32xf32, #tpu.memory_space<vmem_shared>> -> memref<51200x32xf32, #tpu.memory_space<vmem_shared>>
      tpu.enqueue_indirect_dma source(%arg6 : memref<128x32xf32, #tpu.memory_space<vmem>>) target(%dma_start3A_176 : memref<51200x32xf32, #tpu.memory_space<vmem_shared>>) offsets(%dma_start3A_173 : memref<128xi32, #tpu.memory_space<vmem>>) semaphore(%arg7 : memref<!tpu.dma_semaphore, #tpu.memory_space<semaphore_mem>>) {add = true}
      %dma_start3A_177 = arith.constant 896 : i32
      %dma_start3A_178 = tpu.memref_slice %arg5[%dma_start3A_177] : memref<1024xi32, #tpu.memory_space<vmem>> -> memref<128xi32, #tpu.memory_space<vmem>>
      %dma_start3A_179 = arith.constant 0 : i32
      %dma_start3A_180 = arith.constant 0 : i32
      %dma_start3A_181 = tpu.memref_slice %arg4[%dma_start3A_179, %dma_start3A_180] : memref<51200x32xf32, #tpu.memory_space<vmem_shared>> -> memref<51200x32xf32, #tpu.memory_space<vmem_shared>>
      tpu.enqueue_indirect_dma source(%arg6 : memref<128x32xf32, #tpu.memory_space<vmem>>) target(%dma_start3A_181 : memref<51200x32xf32, #tpu.memory_space<vmem_shared>>) offsets(%dma_start3A_178 : memref<128xi32, #tpu.memory_space<vmem>>) semaphore(%arg7 : memref<!tpu.dma_semaphore, #tpu.memory_space<semaphore_mem>>) {add = true}
      %dma_wait3A = arith.constant 0 : i32
      %dma_wait3A_182 = tpu.memref_slice %arg5[%dma_wait3A] : memref<1024xi32, #tpu.memory_space<vmem>> -> memref<128xi32, #tpu.memory_space<vmem>>
      %dma_wait3A_183 = arith.constant 0 : i32
      %dma_wait3A_184 = arith.constant 0 : i32
      %dma_wait3A_185 = tpu.memref_slice %arg4[%dma_wait3A_183, %dma_wait3A_184] : memref<51200x32xf32, #tpu.memory_space<vmem_shared>> -> memref<51200x32xf32, #tpu.memory_space<vmem_shared>>
      tpu.wait_indirect_dma semaphore(%arg7 : memref<!tpu.dma_semaphore, #tpu.memory_space<semaphore_mem>>) src(%arg6 : memref<128x32xf32, #tpu.memory_space<vmem>>) dst(%dma_wait3A_185 : memref<51200x32xf32, #tpu.memory_space<vmem_shared>>)
      %dma_wait3A_186 = arith.constant 128 : i32
      %dma_wait3A_187 = tpu.memref_slice %arg5[%dma_wait3A_186] : memref<1024xi32, #tpu.memory_space<vmem>> -> memref<128xi32, #tpu.memory_space<vmem>>
      %dma_wait3A_188 = arith.constant 0 : i32
      %dma_wait3A_189 = arith.constant 0 : i32
      %dma_wait3A_190 = tpu.memref_slice %arg4[%dma_wait3A_188, %dma_wait3A_189] : memref<51200x32xf32, #tpu.memory_space<vmem_shared>> -> memref<51200x32xf32, #tpu.memory_space<vmem_shared>>
      tpu.wait_indirect_dma semaphore(%arg7 : memref<!tpu.dma_semaphore, #tpu.memory_space<semaphore_mem>>) src(%arg6 : memref<128x32xf32, #tpu.memory_space<vmem>>) dst(%dma_wait3A_190 : memref<51200x32xf32, #tpu.memory_space<vmem_shared>>)
      %dma_wait3A_191 = arith.constant 256 : i32
      %dma_wait3A_192 = tpu.memref_slice %arg5[%dma_wait3A_191] : memref<1024xi32, #tpu.memory_space<vmem>> -> memref<128xi32, #tpu.memory_space<vmem>>
      %dma_wait3A_193 = arith.constant 0 : i32
      %dma_wait3A_194 = arith.constant 0 : i32
      %dma_wait3A_195 = tpu.memref_slice %arg4[%dma_wait3A_193, %dma_wait3A_194] : memref<51200x32xf32, #tpu.memory_space<vmem_shared>> -> memref<51200x32xf32, #tpu.memory_space<vmem_shared>>
      tpu.wait_indirect_dma semaphore(%arg7 : memref<!tpu.dma_semaphore, #tpu.memory_space<semaphore_mem>>) src(%arg6 : memref<128x32xf32, #tpu.memory_space<vmem>>) dst(%dma_wait3A_195 : memref<51200x32xf32, #tpu.memory_space<vmem_shared>>)
      %dma_wait3A_196 = arith.constant 384 : i32
      %dma_wait3A_197 = tpu.memref_slice %arg5[%dma_wait3A_196] : memref<1024xi32, #tpu.memory_space<vmem>> -> memref<128xi32, #tpu.memory_space<vmem>>
      %dma_wait3A_198 = arith.constant 0 : i32
      %dma_wait3A_199 = arith.constant 0 : i32
      %dma_wait3A_200 = tpu.memref_slice %arg4[%dma_wait3A_198, %dma_wait3A_199] : memref<51200x32xf32, #tpu.memory_space<vmem_shared>> -> memref<51200x32xf32, #tpu.memory_space<vmem_shared>>
      tpu.wait_indirect_dma semaphore(%arg7 : memref<!tpu.dma_semaphore, #tpu.memory_space<semaphore_mem>>) src(%arg6 : memref<128x32xf32, #tpu.memory_space<vmem>>) dst(%dma_wait3A_200 : memref<51200x32xf32, #tpu.memory_space<vmem_shared>>)
      %dma_wait3A_201 = arith.constant 512 : i32
      %dma_wait3A_202 = tpu.memref_slice %arg5[%dma_wait3A_201] : memref<1024xi32, #tpu.memory_space<vmem>> -> memref<128xi32, #tpu.memory_space<vmem>>
      %dma_wait3A_203 = arith.constant 0 : i32
      %dma_wait3A_204 = arith.constant 0 : i32
      %dma_wait3A_205 = tpu.memref_slice %arg4[%dma_wait3A_203, %dma_wait3A_204] : memref<51200x32xf32, #tpu.memory_space<vmem_shared>> -> memref<51200x32xf32, #tpu.memory_space<vmem_shared>>
      tpu.wait_indirect_dma semaphore(%arg7 : memref<!tpu.dma_semaphore, #tpu.memory_space<semaphore_mem>>) src(%arg6 : memref<128x32xf32, #tpu.memory_space<vmem>>) dst(%dma_wait3A_205 : memref<51200x32xf32, #tpu.memory_space<vmem_shared>>)
      %dma_wait3A_206 = arith.constant 640 : i32
      %dma_wait3A_207 = tpu.memref_slice %arg5[%dma_wait3A_206] : memref<1024xi32, #tpu.memory_space<vmem>> -> memref<128xi32, #tpu.memory_space<vmem>>
      %dma_wait3A_208 = arith.constant 0 : i32
      %dma_wait3A_209 = arith.constant 0 : i32
      %dma_wait3A_210 = tpu.memref_slice %arg4[%dma_wait3A_208, %dma_wait3A_209] : memref<51200x32xf32, #tpu.memory_space<vmem_shared>> -> memref<51200x32xf32, #tpu.memory_space<vmem_shared>>
      tpu.wait_indirect_dma semaphore(%arg7 : memref<!tpu.dma_semaphore, #tpu.memory_space<semaphore_mem>>) src(%arg6 : memref<128x32xf32, #tpu.memory_space<vmem>>) dst(%dma_wait3A_210 : memref<51200x32xf32, #tpu.memory_space<vmem_shared>>)
      %dma_wait3A_211 = arith.constant 768 : i32
      %dma_wait3A_212 = tpu.memref_slice %arg5[%dma_wait3A_211] : memref<1024xi32, #tpu.memory_space<vmem>> -> memref<128xi32, #tpu.memory_space<vmem>>
      %dma_wait3A_213 = arith.constant 0 : i32
      %dma_wait3A_214 = arith.constant 0 : i32
      %dma_wait3A_215 = tpu.memref_slice %arg4[%dma_wait3A_213, %dma_wait3A_214] : memref<51200x32xf32, #tpu.memory_space<vmem_shared>> -> memref<51200x32xf32, #tpu.memory_space<vmem_shared>>
      tpu.wait_indirect_dma semaphore(%arg7 : memref<!tpu.dma_semaphore, #tpu.memory_space<semaphore_mem>>) src(%arg6 : memref<128x32xf32, #tpu.memory_space<vmem>>) dst(%dma_wait3A_215 : memref<51200x32xf32, #tpu.memory_space<vmem_shared>>)
      %dma_wait3A_216 = arith.constant 896 : i32
      %dma_wait3A_217 = tpu.memref_slice %arg5[%dma_wait3A_216] : memref<1024xi32, #tpu.memory_space<vmem>> -> memref<128xi32, #tpu.memory_space<vmem>>
      %dma_wait3A_218 = arith.constant 0 : i32
      %dma_wait3A_219 = arith.constant 0 : i32
      %dma_wait3A_220 = tpu.memref_slice %arg4[%dma_wait3A_218, %dma_wait3A_219] : memref<51200x32xf32, #tpu.memory_space<vmem_shared>> -> memref<51200x32xf32, #tpu.memory_space<vmem_shared>>
      tpu.wait_indirect_dma semaphore(%arg7 : memref<!tpu.dma_semaphore, #tpu.memory_space<semaphore_mem>>) src(%arg6 : memref<128x32xf32, #tpu.memory_space<vmem>>) dst(%dma_wait3A_220 : memref<51200x32xf32, #tpu.memory_space<vmem_shared>>)
      %scan3A_221 = arith.constant 0 : i32
      scf.yield %scan3A_221 : i32
    }
    %scan3A_127 = arith.constant 25 : i32
    %barrier3A_128 = arith.constant 0 : index
    tpu.barrier barrier_id(%barrier3A_128)
    %mul3A_129 = arith.constant 3200 : i32
    %mul3A_130 = arith.muli %arg1, %mul3A_129 : i32
    %scan3A_131 = arith.constant 0 : i32
    %scan3A_132 = arith.constant 0 : i32
    %scan3A_133 = arith.constant 25 : i32
    %scan3A_134 = arith.addi %scan3A_132, %scan3A_133 : i32
    %scan3A_135 = arith.constant 1 : i32
    %scan3A_136 = scf.for %scan3A_138 = %scan3A_132 to %scan3A_134 step %scan3A_135 iter_args(%scan3A_139 = %scan3A_131) -> (i32)  : i32 {
      %mul3A_140 = arith.constant 128 : i32
      %mul3A_141 = arith.muli %scan3A_138, %mul3A_140 : i32
      %add3A_142 = arith.addi %mul3A_130, %mul3A_141 : i32
      "tpu.region"() ({
        %run_scoped3A = tpu.sem_alloc : memref<!tpu.dma_semaphore, #tpu.memory_space<semaphore_mem>>
        %dma_start3A = arith.constant 0 : i32
        %dma_start3A_147 = tpu.memref_slice %arg4[%add3A_142, %dma_start3A] : memref<51200x32xf32, #tpu.memory_space<vmem_shared>> -> memref<128x32xf32, #tpu.memory_space<vmem_shared>>
        %dma_start3A_148 = arith.constant 0 : i32
        %dma_start3A_149 = tpu.memref_slice %arg4[%add3A_142, %dma_start3A_148] : memref<51200x32xf32, #tpu.memory_space<vmem_shared>> -> memref<128x32xf32, #tpu.memory_space<vmem_shared>>
        tpu.enqueue_dma source(%dma_start3A_149 : memref<128x32xf32, #tpu.memory_space<vmem_shared>>) target(%arg6 : memref<128x32xf32, #tpu.memory_space<vmem>>) target_semaphore(%run_scoped3A : memref<!tpu.dma_semaphore, #tpu.memory_space<semaphore_mem>>)
        %dma_wait3A = arith.constant 0 : i32
        %dma_wait3A_150 = tpu.memref_slice %arg4[%add3A_142, %dma_wait3A] : memref<51200x32xf32, #tpu.memory_space<vmem_shared>> -> memref<128x32xf32, #tpu.memory_space<vmem_shared>>
        %dma_wait3A_151 = arith.constant 0 : i32
        %dma_wait3A_152 = tpu.memref_slice %arg4[%add3A_142, %dma_wait3A_151] : memref<51200x32xf32, #tpu.memory_space<vmem_shared>> -> memref<128x32xf32, #tpu.memory_space<vmem_shared>>
        tpu.wait_dma2 semaphore(%run_scoped3A : memref<!tpu.dma_semaphore, #tpu.memory_space<semaphore_mem>>) src(%dma_wait3A_152 : memref<128x32xf32, #tpu.memory_space<vmem_shared>>) dst(%arg6 : memref<128x32xf32, #tpu.memory_space<vmem>>)
        tpu.yield
      }) : () -> ()
      %mul3A_143 = arith.constant 128 : i32
      %mul3A_144 = arith.muli %scan3A_138, %mul3A_143 : i32
      %add3A_145 = arith.addi %mul3A_130, %mul3A_144 : i32
      "tpu.region"() ({
        %run_scoped3A = tpu.sem_alloc : memref<!tpu.dma_semaphore, #tpu.memory_space<semaphore_mem>>
        %dma_start3A = arith.constant 0 : i32
        %dma_start3A_147 = tpu.memref_slice %arg3[%arg0, %add3A_145, %dma_start3A] : memref<2x51200x32xf32, #tpu.memory_space<hbm>> -> memref<1x128x32xf32, #tpu.memory_space<hbm>>
        %dma_start3A_148 = tpu.memref_squeeze %dma_start3A_147 : memref<1x128x32xf32, #tpu.memory_space<hbm>> -> memref<128x32xf32, #tpu.memory_space<hbm>>
        %dma_start3A_149 = arith.constant 0 : i32
        %dma_start3A_150 = tpu.memref_slice %arg3[%arg0, %add3A_145, %dma_start3A_149] : memref<2x51200x32xf32, #tpu.memory_space<hbm>> -> memref<1x128x32xf32, #tpu.memory_space<hbm>>
        %dma_start3A_151 = tpu.memref_squeeze %dma_start3A_150 : memref<1x128x32xf32, #tpu.memory_space<hbm>> -> memref<128x32xf32, #tpu.memory_space<hbm>>
        tpu.enqueue_dma source(%arg6 : memref<128x32xf32, #tpu.memory_space<vmem>>) target(%dma_start3A_151 : memref<128x32xf32, #tpu.memory_space<hbm>>) target_semaphore(%run_scoped3A : memref<!tpu.dma_semaphore, #tpu.memory_space<semaphore_mem>>)
        %dma_wait3A = arith.constant 0 : i32
        %dma_wait3A_152 = tpu.memref_slice %arg3[%arg0, %add3A_145, %dma_wait3A] : memref<2x51200x32xf32, #tpu.memory_space<hbm>> -> memref<1x128x32xf32, #tpu.memory_space<hbm>>
        %dma_wait3A_153 = tpu.memref_squeeze %dma_wait3A_152 : memref<1x128x32xf32, #tpu.memory_space<hbm>> -> memref<128x32xf32, #tpu.memory_space<hbm>>
        %dma_wait3A_154 = arith.constant 0 : i32
        %dma_wait3A_155 = tpu.memref_slice %arg3[%arg0, %add3A_145, %dma_wait3A_154] : memref<2x51200x32xf32, #tpu.memory_space<hbm>> -> memref<1x128x32xf32, #tpu.memory_space<hbm>>
        %dma_wait3A_156 = tpu.memref_squeeze %dma_wait3A_155 : memref<1x128x32xf32, #tpu.memory_space<hbm>> -> memref<128x32xf32, #tpu.memory_space<hbm>>
        tpu.wait_dma2 semaphore(%run_scoped3A : memref<!tpu.dma_semaphore, #tpu.memory_space<semaphore_mem>>) src(%arg6 : memref<128x32xf32, #tpu.memory_space<vmem>>) dst(%dma_wait3A_156 : memref<128x32xf32, #tpu.memory_space<hbm>>)
        tpu.yield
      }) : () -> ()
      %scan3A_146 = arith.constant 0 : i32
      scf.yield %scan3A_146 : i32
    }
    %scan3A_137 = arith.constant 25 : i32
    return
  }
}

</mosaic_0001>

<sc_bundles>
// kernel: _deg_call.3.cloned.1.call-start
scs
__scs_entry_jumppad:
0x0: {  	(pc) =	sbr.rel $0x88, $3  }
0x1: {  	(tag) =	ssettag $0x0;
	lr =	simm.s32 $0x1  }
0x2: {  	[smem:$0x3FA0] =	sst lr;
	_ =	strace $0xD0000000  }
0x3: {  	_ = 	snop  }
0x4: {  	_ = 	snop  }
0x5: {  	_ = 	snop  }
0x6: {  	_ = 	snop  }
0x7: {  	_ = 	snop  }
__scs_overlays_trampoline_lowered:
0x8: {  	[smem:$0x3FAF] =	sst s0  }
0x9: {  	[smem:$0x3FB0] =	sst s1  }
0xa: {  	[smem:$0x3FB1] =	sst s2  }
0xb: {  	[smem:$0x3FB2] =	sst s3  }
0xc: {  	[smem:$0x3FB3] =	sst s4  }
0xd: {  	[smem:$0x3FB4] =	sst s5  }
0xe: {  	[smem:$0x3FB5] =	sst s6  }
0xf: {  	[smem:$0x3FB6] =	sst s7  }
0x10: {  	[smem:$0x3FB7] =	sst s8  }
0x11: {  	[smem:$0x3FB8] =	sst s9;
	s0 =	simm.s32 @!p0 $0x0  }
0x12: {  	s1 =	sld [smem:$0x3F9E];
	s0 =	simm.s32 @p0 $0x1  }
0x13: {  	[smem:$0x3FB9] =	sst s0;
	s0 =	simm.s32 @!p1 $0x0  }
0x14: {  	s2 =	sld [smem:$0x3F9D];
	s0 =	simm.s32 @p1 $0x1  }
0x15: {  	[smem:$0x3FBA] =	sst s0;
	s0 =	simm.s32 @!p2 $0x0  }
0x16: {  	s3 =	sld [smem:$0x3FDB];
	s0 =	simm.s32 @p2 $0x1  }
0x17: {  	s4 =	simm.s32 $0x1BF5;
	[smem:$0x3FBC] =	sst s0  }
0x18: {  	s0 =	sld [smem:$0x3F9F];
	_ =	swait.ge [sflag:s4], $0x0  }
0x19: {  	s7 =	sld [smem:$0x3FA0]  }
0x1a: {  	s8 =	sadd.s32 $0xFFFFE003, lr  }
0x1b: {  	s9 =	sadd.s32 $0xFFFFFEF7, lr;
	s5 =	simm.s32 $0xFFFFFFFF;
	p2 =	slt.u32 s8, $0xFFFFF086  }
0x1c: {  	p1 =	slt.u32 s9, $0xF7A;
	s5 =	simm.s32 @!p2 $0x0  }
0x1d: {  	s5 =	simm.s32 @p1 $0x1;
	p0 =	seq.s32 s7, s2  }
0x1e: {  	s7 =	smul.u32 @!p0 $0xF7A, s2;
	p2 =	seq.s32 @!p0 s5, $0x0  }
0x1f: {  	s9 =	smul.u32 $0xF7A, s1;
	s8 =	simm.s32 @!p0 $0x1BF5;
	p2 =	por !p2, p0  }
0x20: {  	[sflag:s8] =	ssyncset.s32 @!p0 $0xFFFFF086;
	s6 =	sadd.s32 @!p0 s3, s7;
	s7 =	simm.s32 @!p0 $0x108  }
0x21: {  	s3 =	sadd.s32 s3, s9;
	s6 =	sadd.s32 @!p0 $0x88, s6;
	s7 =	simm.s32 @p2 $0x1082  }
0x22: {  	[simem:s7], [sflag:s8] =	dma.local @!p0 [hbm:s6], $0xF7A  }
0x23: {  	s9 =	sor.u32 $0xD0000000, s2;
	s6 =	simm.s32 $0x108;
	_ =	swait.ge @!p0 [sflag:s8], $0x0  }
0x24: {  	s3 =	sadd.s32 $0x88, s3;
	s6 =	simm.s32 @!p1 $0x1082;
	[sflag:s4] =	ssyncset.s32 $0xFFFFF086  }
0x25: {  	[simem:s6], [sflag:s4] =	dma.local [hbm:s3], $0xF7A  }
0x26: {  	[smem:$0x3FA0] =	sst s1;
	(tag) =	ssettag s2;
	_ =	strace s9  }
0x27: {  	s1 =	sld [smem:$0x3FB0]  }
0x28: {  	s2 =	sld [smem:$0x3FB1]  }
0x29: {  	s4 =	sld [smem:$0x3FB3]  }
0x2a: {  	p0 =	seq.s32 s5, $0x0;
	s5 =	sld [smem:$0x3FB4]  }
0x2b: {  	s6 =	sld [smem:$0x3FB5]  }
0x2c: {  	s7 =	sld [smem:$0x3FB6]  }
0x2d: {  	s3 =	simm.s32 $0x108;
	s8 =	sld [smem:$0x3FB7]  }
0x2e: {  	s3 =	simm.s32 @!p0 $0x1082;
	s9 =	sld [smem:$0x3FB8]  }
0x2f: {  	lr =	sadd.s32 s0, s3;
	s0 =	sld [smem:$0x3FAF]  }
0x30: {  	s3 =	sld [smem:$0x3FB2]  }
0x31: {  	[smem:$0x3FBB] =	sst s10  }
0x32: {  	s10 =	sld [smem:$0x3FB9];
	_ =	sdelay $0x3  }
0x33: {  	p0 =	seq.s32 s10, $0x1;
	s10 =	sld [smem:$0x3FBB];
	_ =	sdelay $0x3  }
0x34: {  	[smem:$0x3FBB] =	sst s10  }
0x35: {  	s10 =	sld [smem:$0x3FBA];
	_ =	sdelay $0x3  }
0x36: {  	p1 =	seq.s32 s10, $0x1;
	s10 =	sld [smem:$0x3FBB];
	_ =	sdelay $0x3  }
0x37: {  	[smem:$0x3FBB] =	sst s10  }
0x38: {  	s10 =	sld [smem:$0x3FBC]  }
0x39: {  	_ = 	snop;
	(pc) =	sbr.ind lr, $3  }
0x3a: {  	_ = 	snop  }
0x3b: {  	_ = 	snop  }
0x3c: {  	p2 =	seq.s32 s10, $0x1;
	s10 =	sld [smem:$0x3FBB]  }
0x3d: {  	_ =	shalt  }
0x3e: {  	_ =	shalt  }
0x3f: {  	_ =	shalt  }
0x40: {  	_ =	shalt  }
0x41: {  	_ =	shalt  }
0x42: {  	_ =	shalt  }
0x43: {  	_ =	shalt  }
0x44: {  	_ =	shalt  }
0x45: {  	_ =	shalt  }
0x46: {  	_ =	shalt  }
0x47: {  	_ =	shalt  }
0x48: {  	_ =	shalt  }
0x49: {  	_ =	shalt  }
0x4a: {  	_ =	shalt  }
0x4b: {  	_ =	shalt  }
0x4c: {  	_ =	shalt  }
0x4d: {  	_ =	shalt  }
0x4e: {  	_ =	shalt  }
0x4f: {  	_ =	shalt  }
0x50: {  	_ =	shalt  }
0x51: {  	_ =	shalt  }
0x52: {  	_ =	shalt  }
0x53: {  	_ =	shalt  }
0x54: {  	_ =	shalt  }
0x55: {  	_ =	shalt  }
0x56: {  	_ =	shalt  }
0x57: {  	_ =	shalt  }
0x58: {  	_ =	shalt  }
0x59: {  	_ =	shalt  }
0x5a: {  	_ =	shalt  }
0x5b: {  	_ =	shalt  }
0x5c: {  	_ =	shalt  }
0x5d: {  	_ =	shalt  }
0x5e: {  	_ =	shalt  }
0x5f: {  	_ =	shalt  }
0x60: {  	_ =	shalt  }
0x61: {  	_ =	shalt  }
0x62: {  	_ =	shalt  }
0x63: {  	_ =	shalt  }
0x64: {  	_ =	shalt  }
0x65: {  	_ =	shalt  }
0x66: {  	_ =	shalt  }
0x67: {  	_ =	shalt  }
0x68: {  	_ =	shalt  }
0x69: {  	_ =	shalt  }
0x6a: {  	_ =	shalt  }
0x6b: {  	_ =	shalt  }
0x6c: {  	_ =	shalt  }
0x6d: {  	_ =	shalt  }
0x6e: {  	_ =	shalt  }
0x6f: {  	_ =	shalt  }
0x70: {  	_ =	shalt  }
0x71: {  	_ =	shalt  }
0x72: {  	_ =	shalt  }
0x73: {  	_ =	shalt  }
0x74: {  	_ =	shalt  }
0x75: {  	_ =	shalt  }
0x76: {  	_ =	shalt  }
0x77: {  	_ =	shalt  }
0x78: {  	_ =	shalt  }
0x79: {  	_ =	shalt  }
0x7a: {  	_ =	shalt  }
0x7b: {  	_ =	shalt  }
0x7c: {  	_ =	shalt  }
0x7d: {  	_ =	shalt  }
0x7e: {  	_ =	shalt  }
0x7f: {  	_ =	shalt  }
0x80: {  	_ =	shalt  }
0x81: {  	_ =	shalt  }
0x82: {  	_ =	shalt  }
0x83: {  	_ =	shalt  }
0x84: {  	_ =	shalt  }
0x85: {  	_ =	shalt  }
0x86: {  	_ =	shalt  }
0x87: {  	_ =	shalt  }
.Lfunc_end0:
.L_simem_size_0:
called_computation_lowered:
.L_overlay_start_0:
0x88: {  	s2 =	sld [smem:$0x3FD9]  }
0x89: {  	s3 =	sld [smem:$0x3FFE];
	_ =	sdelay $0x1  }
0x8a: {  	s1 =	srdreg.scid  }
0x8b: {  	s0 =	sand.u32 $0x1, s1  }
0x8c: {  	s18 =	sshll.u32 s0, $0xA;
	s2 =	sadd.s32 s3, s2  }
0x8d: {  	s2 =	sadd.s32 s2, s18  }
0x8e: {  	[smem:$0x3FC7] =	sst s2  }
0x8f: {  	_ = 	snop  }
0x90: {  	s2 =	sld [smem:$0x3FC9]  }
0x91: {  	s19 =	sld [smem:$0x3FD0];
	(tm) =	ssettm $0x1  }
0x92: {  	s4 =	sld [smem:$0x3FFB];
	_ =	sdelay $0x3  }
0x93: {  	_ =	strace s4  }
0x94: {  	s4 =	sld [smem:$0x3FFC];
	_ =	sdelay $0x3  }
0x95: {  	_ =	strace s4  }
0x96: {  	s4 =	sld [smem:$0x3FFD];
	_ =	sdelay $0x3  }
0x97: {  	_ =	strace s4  }
0x98: {  	_ =	strace $0x8FFFFFFF  }
0x99: {  	s20 =	sld [smem:$0x3FDB];
	_ =	sdelay $0x1  }
0x9a: {  	s5 =	simm.s32 $_scs_section_size  }
0x9b: {  	s6 =	simm.s32 $_size__tile_overlayer_lowered;
	s7 =	simm.s32 $_tile_overlayer_lowered  }
0x9c: {  	s23 =	simm.s32 $0x1BFF;
	s22 =	sshll.u32 s7, $0x1;
	s4 =	sadd.s32 s5, s20  }
0x9d: {  	s8 =	simm.s32 $0x0;
	s21 =	sshll.u32 s6, $0x1;
	s6 =	sadd.s32 s22, s4  }
0x9e: {  	[timem:s8], [sflag:s23] =	dma.local [hbm:s6], s21  }
0x9f: {  	_ =	swait.ge [sflag:s23], s21  }
0xa0: {  	s5 =	ssub.s32 $0x0, s21;
	[sflag:s23] =	ssyncset.done $0x0  }
0xa1: {  	[sflag:s23] =	ssyncadd.s32 s5;
	_ =	sdelay $0x1  }
0xa2: {  	s24 =	simm.s32 $0x1B8B  }
0xa3: {  	_ =	swait.ge [sflag:s24], $0x1  }
0xa4: {  	[sflag:s24] =	ssyncset.done $0x0  }
0xa5: {  	s25 =	simm.s32 $0x1B8E;
	[sflag:s24] =	ssyncadd.s32 $0xFFFFFFFF  }
0xa6: {  	s26 =	simm.s32 $execute0_lowered;
	[smem:$0x3FD2] =	sst s25  }
0xa7: {  	s5 =	sshll.u32 s26, $0x1;
	_ =	strace $0x80000046;
	[dreg:$0x1] =	wrdreg $0xFFFFFFFF  }
0xa8: {  	s28 =	simm.s32 $_size_execute0_lowered;
	s4 =	sadd.s32 s4, s5;
	[dreg:$0x0] =	wrdreg $0x0  }
0xa9: {  	s5 =	sshll.u32 s28, $0x1;
	[dreg:$0x2] =	wrdreg s4  }
0xaa: {  	[dreg:$0x3] =	wrdreg s5  }
0xab: {  	[dreg:$0x4] =	wrdreg $0xC0  }
0xac: {  	_ =	task [dreg:s8], $0x5FFFF  }
0xad: {  	[dreg:$0x1] =	wrdreg $0xFFFFFFFF  }
0xae: {  	[dreg:$0x0] =	wrdreg $0x60  }
0xaf: {  	[dreg:$0x2] =	wrdreg s2  }
0xb0: {  	[dreg:$0x3] =	wrdreg s19  }
0xb1: {  	[dreg:$0x4] =	wrdreg $0x0  }
0xb2: {  	[dreg:$0x5] =	wrdreg $0x9  }
0xb3: {  	_ =	task.clear_ibuf [dreg:s8], $0x6FFFF;
	_ =	strace $0x90000046  }
0xb4: {  	s29 =	simm.s32 $0x9;
	_ =	strace $0x80000048  }
0xb5: {  	_ =	swait.ge [sflag:s29], $0x1  }
0xb6: {  	[sflag:s29] =	ssyncadd.s32 $0xFFFFFFFF  }
0xb7: {  	_ =	strace $0x90000048  }
0xb8: {  	_ =	sfence  }
0xb9: {  	s30 =	sld [smem:$0x0];
	_ =	sdelay $0x2  }
0xba: {  	s31 =	sshll.u32 s1, $0xD;
	s1 =	sshrl.u32 s1, $0x2  }
0xbb: {  	s3 =	sand.u32 $0x4000, s31;
	s1 =	sadd.s32 s1, s30  }
0xbc: {  	s0 =	sor.u32 s3, s0;
	s1 =	sshll.u32 s1, $0x11  }
0xbd: {  	s0 =	sor.u32 s1, s0  }
0xbe: {  	s0 =	sadd.s32 $0x8F2B, s0  }
0xbf: {  	[sflag:s0] =	ssyncadd.remote.s32 $0x1  }
0xc0: {  	_ =	sfence.sel $0xFFFF  }
0xc1: {  	[dreg:$0x0] =	wrdreg $0xFFFFFFFF;
	(pc) =	sbr.abs _section_cstart, $3  }
0xc2: {  	[dreg:$0x1] =	wrdreg $0xFFFFFFFF  }
0xc3: {  	_ =	task.clear_ibuf [dreg:s8], $0x2FFFF;
	_ =	strace $0x9FFFFFFF  }
0xc4: {  	(tm) =	ssettm $0x7FFFFFFF  }
0xc5: {  	_ =	shalt  }
tec
execute0_lowered:
.L_overlay_start_1:
0x0: {  	(tag) =	ssettag $0x1  }
0x1: {  	s9 =	stileid.u32  }
0x2: {  	s0 =	rddreg [dreg:$0x0];
	s4 =	smul.u32 $0x64000, s9  }
0x3: {  	s1 =	rddreg [dreg:$0x1]  }
0x4: {  	s3 =	srdreg.scid;
	s2 =	rddreg [dreg:$0x2];
	s4 =	sshrl.u32 s4, $0x2  }
0x5: {  	s5 =	sand.u32 $0x1, s3;
	s3 =	simm.s32 $0x0;
	s4 =	sadd.s32 s4, s2  }
0x6: {  	s16 =	smul.u32 $0x19000, s9;
	[smem:$0x7FF] =	sst s3;
	s11 =	sadd.s32 $0x1000, s4  }
0x7: {  	_ =	strace $0x80000047;
	s12 =	sadd.s32 $0x2000, s4;
	[dreg:$0x4] =	wrdreg s11  }
0x8: {  	s9 =	smul.u32 $0x6400, s9;
	s13 =	sadd.s32 $0x3000, s4;
	[dreg:$0x5] =	wrdreg s12  }
0x9: {  	s6 =	ssub.s32 $0x2, s5;
	s14 =	sadd.s32 $0x4000, s4;
	[dreg:$0x6] =	wrdreg s13  }
0xa: {  	s18 =	smul.u32 $0x190000, s5;
	s15 =	sadd.s32 $0x5000, s4;
	[dreg:$0x7] =	wrdreg s14  }
0xb: {  	s5 =	smul.u32 $0x64000, s5;
	s8 =	sadd.s32 $0x6000, s4;
	[dreg:$0x8] =	wrdreg s15  }
0xc: {  	s7 =	sshrl.u32 s6, $0x1;
	s17 =	sadd.s32 $0x7000, s4;
	[dreg:$0x9] =	wrdreg s8  }
0xd: {  	s6 =	ssub.s32 s6, s7;
	s10 =	sadd.s32 $0x8000, s4;
	[dreg:$0xa] =	wrdreg s17  }
0xe: {  	s5 =	sadd.s32 s9, s5;
	s19 =	sadd.s32 $0x9000, s4;
	[dreg:$0xb] =	wrdreg s10  }
0xf: {  	s7 =	sadd.s32 s16, s18;
	s20 =	sadd.s32 $0xA000, s4;
	[dreg:$0xc] =	wrdreg s19  }
0x10: {  	s9 =	simm.s32 $0x19100;
	s21 =	sadd.s32 $0xB000, s4;
	[dreg:$0xd] =	wrdreg s20  }
0x11: {  	s16 =	simm.s32 $0x0;
	s22 =	sadd.s32 $0xC000, s4;
	[dreg:$0xe] =	wrdreg s21  }
0x12: {  	s23 =	sadd.s32 $0xD000, s4;
	s24 =	sadd.s32 $0xE000, s4;
	[dreg:$0xf] =	wrdreg s22  }
0x13: {  	s25 =	sadd.s32 $0xF000, s4;
	s26 =	sadd.s32 $0x10000, s4;
	[dreg:$0x10] =	wrdreg s23  }
0x14: {  	s5 =	sshrl.u32 s5, $0x3;
	s7 =	sshrl.u32 s7, $0x3;
	[dreg:$0x11] =	wrdreg s24  }
0x15: {  	s28 =	sadd.s32 $0x14000, s4;
	s29 =	sadd.s32 $0x15000, s4;
	[dreg:$0x12] =	wrdreg s25  }
0x16: {  	s30 =	sadd.s32 $0x16000, s4;
	s31 =	sadd.s32 $0x17000, s4;
	[dreg:$0x13] =	wrdreg s26  }
0x17: {  	s21 =	sadd.s32 s5, s0;
	s22 =	sadd.s32 $0x11000, s4;
	s23 =	sadd.s32 s7, s1  }
0x18: {  	s24 =	sadd.s32 $0x12000, s4;
	s25 =	smax.u32 s6, $0x1;
	s26 =	sadd.s32 $0x13000, s4  }
0x19: {  	s1 =	sadd.s32 $0x18000, s4;
	s0 =	simm.s32 $0x19400;
	s5 =	simm.s32 $0x2  }
0x1a: {  	s6 =	simm.s32 $0x19000;
	s7 =	simm.s32 $0x80;
	s8 =	simm.s32 $0x19080  }
0x1b: {  	s10 =	simm.s32 $0x19180;
	s11 =	simm.s32 $0x19200;
	s12 =	simm.s32 $0x19280  }
0x1c: {  	v0 =	vimm.f32 $0.0e+00;
	v1 =	vimm.f32 $1.000000000e+00;
	s13 =	simm.s32 $0x19300;
	s14 =	simm.s32 $0x19380;
	s15 =	simm.s32 $0x1  }
.LBB2_1:
0x1d: {  	s17 =	simm.s32 $0x80;
	s18 =	simm.s32 $0x0  }
.LBB2_2:
0x1e: {  	p0 =	sne.s32 s17, $0x3F80;
	[tilespmem:s18+$0x19400] =	vst v0;
	s19 =	smov.u32 s17;
	s17 =	sadd.s32 $0x80, s17  }
.Ltmp0:
0x1f: {  	[tilespmem:s18+$0x19410] =	vst v0;
	(pc) =	sbr.rel @p0 .LBB2_2-.Ltmp0, $2  }
0x20: {  	_ =	sdelay $0x2  }
0x21: {  	s18 =	sshra.s32 s19, $0x2  }
0x22: {  	[tilespmem:s18+$0x19400] =	vst v0  }
0x23: {  	[tilespmem:s18+$0x19410] =	vst v0  }
0x24: {  	[spmem:s4] =	stream.linear.scatter [tilespmem:s0], [sflag:$0x2], $0x1000, $0x38;
	[tilespmem:$0x1A400] =	vst v63  }
0x25: {  	_ =	swait.ge [sflag:s5], $0x1000  }
0x26: {  	[sflag:s5] =	ssyncset.done $0x0  }
0x27: {  	s17 =	rddreg [dreg:$0x4];
	[sflag:s5] =	ssyncadd.s32 $0xFFFFF000  }
0x28: {  	[spmem:s17] =	stream.linear.scatter [tilespmem:s0], [sflag:$0x2], $0x1000, $0x38;
	[tilespmem:$0x1A400] =	vst v63  }
0x29: {  	_ =	swait.ge [sflag:s5], $0x1000  }
0x2a: {  	[sflag:s5] =	ssyncset.done $0x0  }
0x2b: {  	s18 =	rddreg [dreg:$0x5];
	[sflag:s5] =	ssyncadd.s32 $0xFFFFF000  }
0x2c: {  	[spmem:s18] =	stream.linear.scatter [tilespmem:s0], [sflag:$0x2], $0x1000, $0x38;
	[tilespmem:$0x1A400] =	vst v63  }
0x2d: {  	_ =	swait.ge [sflag:s5], $0x1000  }
0x2e: {  	[sflag:s5] =	ssyncset.done $0x0  }
0x2f: {  	s19 =	rddreg [dreg:$0x6];
	[sflag:s5] =	ssyncadd.s32 $0xFFFFF000  }
0x30: {  	[spmem:s19] =	stream.linear.scatter [tilespmem:s0], [sflag:$0x2], $0x1000, $0x38;
	[tilespmem:$0x1A400] =	vst v63  }
0x31: {  	_ =	swait.ge [sflag:s5], $0x1000  }
0x32: {  	[sflag:s5] =	ssyncset.done $0x0  }
0x33: {  	s20 =	rddreg [dreg:$0x7];
	[sflag:s5] =	ssyncadd.s32 $0xFFFFF000  }
0x34: {  	[spmem:s20] =	stream.linear.scatter [tilespmem:s0], [sflag:$0x2], $0x1000, $0x38;
	[tilespmem:$0x1A400] =	vst v63  }
0x35: {  	_ =	swait.ge [sflag:s5], $0x1000  }
0x36: {  	[sflag:s5] =	ssyncset.done $0x0  }
0x37: {  	s18 =	rddreg [dreg:$0x8];
	[sflag:s5] =	ssyncadd.s32 $0xFFFFF000  }
0x38: {  	[spmem:s18] =	stream.linear.scatter [tilespmem:s0], [sflag:$0x2], $0x1000, $0x38;
	[tilespmem:$0x1A400] =	vst v63  }
0x39: {  	_ =	swait.ge [sflag:s5], $0x1000  }
0x3a: {  	[sflag:s5] =	ssyncset.done $0x0  }
0x3b: {  	s19 =	rddreg [dreg:$0x9];
	[sflag:s5] =	ssyncadd.s32 $0xFFFFF000  }
0x3c: {  	[spmem:s19] =	stream.linear.scatter [tilespmem:s0], [sflag:$0x2], $0x1000, $0x38;
	[tilespmem:$0x1A400] =	vst v63  }
0x3d: {  	_ =	swait.ge [sflag:s5], $0x1000  }
0x3e: {  	[sflag:s5] =	ssyncset.done $0x0  }
0x3f: {  	s20 =	rddreg [dreg:$0xa];
	[sflag:s5] =	ssyncadd.s32 $0xFFFFF000  }
0x40: {  	[spmem:s20] =	stream.linear.scatter [tilespmem:s0], [sflag:$0x2], $0x1000, $0x38;
	[tilespmem:$0x1A400] =	vst v63  }
0x41: {  	_ =	swait.ge [sflag:s5], $0x1000  }
0x42: {  	[sflag:s5] =	ssyncset.done $0x0  }
0x43: {  	s18 =	rddreg [dreg:$0xb];
	[sflag:s5] =	ssyncadd.s32 $0xFFFFF000  }
0x44: {  	[spmem:s18] =	stream.linear.scatter [tilespmem:s0], [sflag:$0x2], $0x1000, $0x38;
	[tilespmem:$0x1A400] =	vst v63  }
0x45: {  	_ =	swait.ge [sflag:s5], $0x1000  }
0x46: {  	[sflag:s5] =	ssyncset.done $0x0  }
0x47: {  	s19 =	rddreg [dreg:$0xc];
	[sflag:s5] =	ssyncadd.s32 $0xFFFFF000  }
0x48: {  	[spmem:s19] =	stream.linear.scatter [tilespmem:s0], [sflag:$0x2], $0x1000, $0x38;
	[tilespmem:$0x1A400] =	vst v63  }
0x49: {  	_ =	swait.ge [sflag:s5], $0x1000  }
0x4a: {  	[sflag:s5] =	ssyncset.done $0x0  }
0x4b: {  	s20 =	rddreg [dreg:$0xd];
	[sflag:s5] =	ssyncadd.s32 $0xFFFFF000  }
0x4c: {  	[spmem:s20] =	stream.linear.scatter [tilespmem:s0], [sflag:$0x2], $0x1000, $0x38;
	[tilespmem:$0x1A400] =	vst v63  }
0x4d: {  	_ =	swait.ge [sflag:s5], $0x1000  }
0x4e: {  	[sflag:s5] =	ssyncset.done $0x0  }
0x4f: {  	s18 =	rddreg [dreg:$0xe];
	[sflag:s5] =	ssyncadd.s32 $0xFFFFF000  }
0x50: {  	[spmem:s18] =	stream.linear.scatter [tilespmem:s0], [sflag:$0x2], $0x1000, $0x38;
	[tilespmem:$0x1A400] =	vst v63  }
0x51: {  	_ =	swait.ge [sflag:s5], $0x1000  }
0x52: {  	[sflag:s5] =	ssyncset.done $0x0  }
0x53: {  	s19 =	rddreg [dreg:$0xf];
	[sflag:s5] =	ssyncadd.s32 $0xFFFFF000  }
0x54: {  	[spmem:s19] =	stream.linear.scatter [tilespmem:s0], [sflag:$0x2], $0x1000, $0x38;
	[tilespmem:$0x1A400] =	vst v63  }
0x55: {  	_ =	swait.ge [sflag:s5], $0x1000  }
0x56: {  	[sflag:s5] =	ssyncset.done $0x0  }
0x57: {  	s20 =	rddreg [dreg:$0x10];
	[sflag:s5] =	ssyncadd.s32 $0xFFFFF000  }
0x58: {  	[spmem:s20] =	stream.linear.scatter [tilespmem:s0], [sflag:$0x2], $0x1000, $0x38;
	[tilespmem:$0x1A400] =	vst v63  }
0x59: {  	_ =	swait.ge [sflag:s5], $0x1000  }
0x5a: {  	[sflag:s5] =	ssyncset.done $0x0  }
0x5b: {  	s18 =	rddreg [dreg:$0x11];
	[sflag:s5] =	ssyncadd.s32 $0xFFFFF000  }
0x5c: {  	[spmem:s18] =	stream.linear.scatter [tilespmem:s0], [sflag:$0x2], $0x1000, $0x38;
	[tilespmem:$0x1A400] =	vst v63  }
0x5d: {  	_ =	swait.ge [sflag:s5], $0x1000  }
0x5e: {  	[sflag:s5] =	ssyncset.done $0x0  }
0x5f: {  	s19 =	rddreg [dreg:$0x12];
	[sflag:s5] =	ssyncadd.s32 $0xFFFFF000  }
0x60: {  	[spmem:s19] =	stream.linear.scatter [tilespmem:s0], [sflag:$0x2], $0x1000, $0x38;
	[tilespmem:$0x1A400] =	vst v63  }
0x61: {  	_ =	swait.ge [sflag:s5], $0x1000  }
0x62: {  	[sflag:s5] =	ssyncset.done $0x0  }
0x63: {  	s20 =	rddreg [dreg:$0x13];
	[sflag:s5] =	ssyncadd.s32 $0xFFFFF000  }
0x64: {  	[spmem:s20] =	stream.linear.scatter [tilespmem:s0], [sflag:$0x2], $0x1000, $0x38;
	[tilespmem:$0x1A400] =	vst v63  }
0x65: {  	_ =	swait.ge [sflag:s5], $0x1000  }
0x66: {  	[sflag:s5] =	ssyncset.done $0x0  }
0x67: {  	[sflag:s5] =	ssyncadd.s32 $0xFFFFF000  }
0x68: {  	[spmem:s22] =	stream.linear.scatter [tilespmem:s0], [sflag:$0x2], $0x1000, $0x38;
	[tilespmem:$0x1A400] =	vst v63  }
0x69: {  	_ =	swait.ge [sflag:s5], $0x1000  }
0x6a: {  	[sflag:s5] =	ssyncset.done $0x0  }
0x6b: {  	[sflag:s5] =	ssyncadd.s32 $0xFFFFF000  }
0x6c: {  	[spmem:s24] =	stream.linear.scatter [tilespmem:s0], [sflag:$0x2], $0x1000, $0x38;
	[tilespmem:$0x1A400] =	vst v63  }
0x6d: {  	_ =	swait.ge [sflag:s5], $0x1000  }
0x6e: {  	[sflag:s5] =	ssyncset.done $0x0  }
0x6f: {  	[sflag:s5] =	ssyncadd.s32 $0xFFFFF000  }
0x70: {  	[spmem:s26] =	stream.linear.scatter [tilespmem:s0], [sflag:$0x2], $0x1000, $0x38;
	[tilespmem:$0x1A400] =	vst v63  }
0x71: {  	_ =	swait.ge [sflag:s5], $0x1000  }
0x72: {  	[sflag:s5] =	ssyncset.done $0x0  }
0x73: {  	[sflag:s5] =	ssyncadd.s32 $0xFFFFF000  }
0x74: {  	[spmem:s28] =	stream.linear.scatter [tilespmem:s0], [sflag:$0x2], $0x1000, $0x38;
	[tilespmem:$0x1A400] =	vst v63  }
0x75: {  	_ =	swait.ge [sflag:s5], $0x1000  }
0x76: {  	[sflag:s5] =	ssyncset.done $0x0  }
0x77: {  	[sflag:s5] =	ssyncadd.s32 $0xFFFFF000  }
0x78: {  	[spmem:s29] =	stream.linear.scatter [tilespmem:s0], [sflag:$0x2], $0x1000, $0x38;
	[tilespmem:$0x1A400] =	vst v63  }
0x79: {  	_ =	swait.ge [sflag:s5], $0x1000  }
0x7a: {  	[sflag:s5] =	ssyncset.done $0x0  }
0x7b: {  	[sflag:s5] =	ssyncadd.s32 $0xFFFFF000  }
0x7c: {  	[spmem:s30] =	stream.linear.scatter [tilespmem:s0], [sflag:$0x2], $0x1000, $0x38;
	[tilespmem:$0x1A400] =	vst v63  }
0x7d: {  	_ =	swait.ge [sflag:s5], $0x1000  }
0x7e: {  	[sflag:s5] =	ssyncset.done $0x0  }
0x7f: {  	[sflag:s5] =	ssyncadd.s32 $0xFFFFF000  }
0x80: {  	[spmem:s31] =	stream.linear.scatter [tilespmem:s0], [sflag:$0x2], $0x1000, $0x38;
	[tilespmem:$0x1A400] =	vst v63  }
0x81: {  	_ =	swait.ge [sflag:s5], $0x1000  }
0x82: {  	[sflag:s5] =	ssyncset.done $0x0  }
0x83: {  	[sflag:s5] =	ssyncadd.s32 $0xFFFFF000  }
0x84: {  	[spmem:s1] =	stream.linear.scatter [tilespmem:s0], [sflag:$0x2], $0x1000, $0x38;
	[tilespmem:$0x1A400] =	vst v63  }
0x85: {  	_ =	swait.ge [sflag:s5], $0x1000  }
0x86: {  	[sflag:s5] =	ssyncset.done $0x0  }
0x87: {  	s17 =	simm.s32 $0x80;
	s18 =	simm.s32 $0x0;
	[sflag:s5] =	ssyncadd.s32 $0xFFFFF000  }
.LBB2_4:
0x88: {  	p0 =	sne.s32 s17, $0x3F80;
	[tilespmem:s18+$0x19400] =	vst v1;
	s19 =	smov.u32 s17;
	s17 =	sadd.s32 $0x80, s17  }
.Ltmp1:
0x89: {  	[tilespmem:s18+$0x19410] =	vst v1;
	(pc) =	sbr.rel @p0 .LBB2_4-.Ltmp1, $2  }
0x8a: {  	_ =	sdelay $0x2  }
0x8b: {  	s18 =	sshra.s32 s19, $0x2  }
0x8c: {  	[tilespmem:s18+$0x19400] =	vst v1  }
0x8d: {  	[tilespmem:s18+$0x19410] =	vst v1  }
0x8e: {  	s17 =	sadd.s32 $0x0, s21;
	[bflag:$0x0] =	sbarrier.arrive $0xFFFF  }
0x8f: {  	[tilespmem:s6], [sflag:$0x2] =	stream.linear.gather [hbm4b:s17+s3], $0x400, $0x38;
	[tilespmem:$0x1A400] =	vst v63  }
0x90: {  	_ =	swait.ge [sflag:s5], $0x400  }
0x91: {  	[sflag:s5] =	ssyncset.done $0x0  }
0x92: {  	[sflag:s5] =	ssyncadd.s32 $0xFFFFFC00  }
0x93: {  	[spmem:s2] =	stream.indirect.scatter.add.f32 [tilespmem:s0], [sflag:$0x1], $0x20, s6, s7, $0xb8;
	[tilespmem:$0x1A400] =	vst v63  }
0x94: {  	_ = 	snop  }
0x95: {  	[spmem:s2] =	stream.indirect.scatter.add.f32 [tilespmem:s0], [sflag:$0x1], $0x20, s8, s7, $0xb8;
	[tilespmem:$0x1A400] =	vst v63  }
0x96: {  	_ = 	snop  }
0x97: {  	[spmem:s2] =	stream.indirect.scatter.add.f32 [tilespmem:s0], [sflag:$0x1], $0x20, s9, s7, $0xb8;
	[tilespmem:$0x1A400] =	vst v63  }
0x98: {  	_ = 	snop  }
0x99: {  	[spmem:s2] =	stream.indirect.scatter.add.f32 [tilespmem:s0], [sflag:$0x1], $0x20, s10, s7, $0xb8;
	[tilespmem:$0x1A400] =	vst v63  }
0x9a: {  	_ = 	snop  }
0x9b: {  	[spmem:s2] =	stream.indirect.scatter.add.f32 [tilespmem:s0], [sflag:$0x1], $0x20, s11, s7, $0xb8;
	[tilespmem:$0x1A400] =	vst v63  }
0x9c: {  	_ = 	snop  }
0x9d: {  	[spmem:s2] =	stream.indirect.scatter.add.f32 [tilespmem:s0], [sflag:$0x1], $0x20, s12, s7, $0xb8;
	[tilespmem:$0x1A400] =	vst v63  }
0x9e: {  	_ = 	snop  }
0x9f: {  	[spmem:s2] =	stream.indirect.scatter.add.f32 [tilespmem:s0], [sflag:$0x1], $0x20, s13, s7, $0xb8;
	[tilespmem:$0x1A400] =	vst v63  }
0xa0: {  	_ = 	snop  }
0xa1: {  	[spmem:s2] =	stream.indirect.scatter.add.f32 [tilespmem:s0], [sflag:$0x1], $0x20, s14, s7, $0xb8;
	[tilespmem:$0x1A400] =	vst v63  }
0xa2: {  	_ =	swait.ge [sflag:s15], $0x1000  }
0xa3: {  	[sflag:s15] =	ssyncset.done $0x0  }
0xa4: {  	[sflag:s15] =	ssyncadd.s32 $0xFFFFF000  }
0xa5: {  	_ =	swait.ge [sflag:s15], $0x1000  }
0xa6: {  	[sflag:s15] =	ssyncset.done $0x0  }
0xa7: {  	[sflag:s15] =	ssyncadd.s32 $0xFFFFF000  }
0xa8: {  	_ =	swait.ge [sflag:s15], $0x1000  }
0xa9: {  	[sflag:s15] =	ssyncset.done $0x0  }
0xaa: {  	[sflag:s15] =	ssyncadd.s32 $0xFFFFF000  }
0xab: {  	_ =	swait.ge [sflag:s15], $0x1000  }
0xac: {  	[sflag:s15] =	ssyncset.done $0x0  }
0xad: {  	[sflag:s15] =	ssyncadd.s32 $0xFFFFF000  }
0xae: {  	_ =	swait.ge [sflag:s15], $0x1000  }
0xaf: {  	[sflag:s15] =	ssyncset.done $0x0  }
0xb0: {  	[sflag:s15] =	ssyncadd.s32 $0xFFFFF000  }
0xb1: {  	_ =	swait.ge [sflag:s15], $0x1000  }
0xb2: {  	[sflag:s15] =	ssyncset.done $0x0  }
0xb3: {  	[sflag:s15] =	ssyncadd.s32 $0xFFFFF000  }
0xb4: {  	_ =	swait.ge [sflag:s15], $0x1000  }
0xb5: {  	[sflag:s15] =	ssyncset.done $0x0  }
0xb6: {  	[sflag:s15] =	ssyncadd.s32 $0xFFFFF000  }
0xb7: {  	_ =	swait.ge [sflag:s15], $0x1000  }
0xb8: {  	s18 =	simm.s32 $0x100;
	s17 =	simm.s32 $0x80;
	[sflag:s15] =	ssyncset.done $0x0  }
.LBB2_6:
0xb9: {  	s20 =	sadd.s32 s17, s21  }
0xba: {  	[sflag:s15] =	ssyncadd.s32 $0xFFFFF000;
	s17 =	smov.u32 s18;
	s19 =	sadd.s32 $0x80, s18  }
0xbb: {  	[tilespmem:s6], [sflag:$0x2] =	stream.linear.gather [hbm4b:s20+s3], $0x400, $0x38;
	[tilespmem:$0x1A400] =	vst v63  }
0xbc: {  	p0 =	sne.s32 s18, $0xC00;
	_ =	swait.ge [sflag:s5], $0x400  }
0xbd: {  	[sflag:s5] =	ssyncset.done $0x0  }
0xbe: {  	[sflag:s5] =	ssyncadd.s32 $0xFFFFFC00  }
0xbf: {  	[spmem:s2] =	stream.indirect.scatter.add.f32 [tilespmem:s0], [sflag:$0x1], $0x20, s6, s7, $0xb8;
	[tilespmem:$0x1A400] =	vst v63  }
0xc0: {  	_ = 	snop  }
0xc1: {  	[spmem:s2] =	stream.indirect.scatter.add.f32 [tilespmem:s0], [sflag:$0x1], $0x20, s8, s7, $0xb8;
	[tilespmem:$0x1A400] =	vst v63  }
0xc2: {  	_ = 	snop  }
0xc3: {  	[spmem:s2] =	stream.indirect.scatter.add.f32 [tilespmem:s0], [sflag:$0x1], $0x20, s9, s7, $0xb8;
	[tilespmem:$0x1A400] =	vst v63  }
0xc4: {  	_ = 	snop  }
0xc5: {  	[spmem:s2] =	stream.indirect.scatter.add.f32 [tilespmem:s0], [sflag:$0x1], $0x20, s10, s7, $0xb8;
	[tilespmem:$0x1A400] =	vst v63  }
0xc6: {  	_ = 	snop  }
0xc7: {  	[spmem:s2] =	stream.indirect.scatter.add.f32 [tilespmem:s0], [sflag:$0x1], $0x20, s11, s7, $0xb8;
	[tilespmem:$0x1A400] =	vst v63  }
0xc8: {  	_ = 	snop  }
0xc9: {  	[spmem:s2] =	stream.indirect.scatter.add.f32 [tilespmem:s0], [sflag:$0x1], $0x20, s12, s7, $0xb8;
	[tilespmem:$0x1A400] =	vst v63  }
0xca: {  	_ = 	snop  }
0xcb: {  	[spmem:s2] =	stream.indirect.scatter.add.f32 [tilespmem:s0], [sflag:$0x1], $0x20, s13, s7, $0xb8;
	[tilespmem:$0x1A400] =	vst v63  }
0xcc: {  	_ = 	snop  }
0xcd: {  	[spmem:s2] =	stream.indirect.scatter.add.f32 [tilespmem:s0], [sflag:$0x1], $0x20, s14, s7, $0xb8;
	[tilespmem:$0x1A400] =	vst v63  }
0xce: {  	_ =	swait.ge [sflag:s15], $0x1000  }
0xcf: {  	[sflag:s15] =	ssyncset.done $0x0  }
0xd0: {  	[sflag:s15] =	ssyncadd.s32 $0xFFFFF000  }
0xd1: {  	_ =	swait.ge [sflag:s15], $0x1000  }
0xd2: {  	[sflag:s15] =	ssyncset.done $0x0  }
0xd3: {  	[sflag:s15] =	ssyncadd.s32 $0xFFFFF000  }
0xd4: {  	_ =	swait.ge [sflag:s15], $0x1000  }
0xd5: {  	[sflag:s15] =	ssyncset.done $0x0  }
0xd6: {  	[sflag:s15] =	ssyncadd.s32 $0xFFFFF000  }
0xd7: {  	_ =	swait.ge [sflag:s15], $0x1000  }
0xd8: {  	[sflag:s15] =	ssyncset.done $0x0  }
0xd9: {  	[sflag:s15] =	ssyncadd.s32 $0xFFFFF000  }
0xda: {  	_ =	swait.ge [sflag:s15], $0x1000  }
0xdb: {  	[sflag:s15] =	ssyncset.done $0x0  }
0xdc: {  	[sflag:s15] =	ssyncadd.s32 $0xFFFFF000  }
0xdd: {  	_ =	swait.ge [sflag:s15], $0x1000  }
0xde: {  	[sflag:s15] =	ssyncset.done $0x0  }
0xdf: {  	[sflag:s15] =	ssyncadd.s32 $0xFFFFF000  }
.Ltmp2:
0xe0: {  	_ =	swait.ge [sflag:s15], $0x1000;
	(pc) =	sbr.rel @p0 .LBB2_6-.Ltmp2, $4  }
0xe1: {  	[sflag:s15] =	ssyncset.done $0x0  }
0xe2: {  	[sflag:s15] =	ssyncadd.s32 $0xFFFFF000  }
0xe3: {  	_ =	swait.ge [sflag:s15], $0x1000  }
0xe4: {  	s18 =	smov.u32 s19;
	[sflag:s15] =	ssyncset.done $0x0  }
0xe5: {  	s17 =	sadd.s32 s17, s21;
	[sflag:s15] =	ssyncadd.s32 $0xFFFFF000  }
0xe6: {  	[tilespmem:s6], [sflag:$0x2] =	stream.linear.gather [hbm4b:s17+s3], $0x400, $0x38;
	[tilespmem:$0x1A400] =	vst v63  }
0xe7: {  	_ =	swait.ge [sflag:s5], $0x400  }
0xe8: {  	[sflag:s5] =	ssyncset.done $0x0  }
0xe9: {  	[sflag:s5] =	ssyncadd.s32 $0xFFFFFC00  }
0xea: {  	[spmem:s2] =	stream.indirect.scatter.add.f32 [tilespmem:s0], [sflag:$0x1], $0x20, s6, s7, $0xb8;
	[tilespmem:$0x1A400] =	vst v63  }
0xeb: {  	_ = 	snop  }
0xec: {  	[spmem:s2] =	stream.indirect.scatter.add.f32 [tilespmem:s0], [sflag:$0x1], $0x20, s8, s7, $0xb8;
	[tilespmem:$0x1A400] =	vst v63  }
0xed: {  	_ = 	snop  }
0xee: {  	[spmem:s2] =	stream.indirect.scatter.add.f32 [tilespmem:s0], [sflag:$0x1], $0x20, s9, s7, $0xb8;
	[tilespmem:$0x1A400] =	vst v63  }
0xef: {  	_ = 	snop  }
0xf0: {  	[spmem:s2] =	stream.indirect.scatter.add.f32 [tilespmem:s0], [sflag:$0x1], $0x20, s10, s7, $0xb8;
	[tilespmem:$0x1A400] =	vst v63  }
0xf1: {  	_ = 	snop  }
0xf2: {  	[spmem:s2] =	stream.indirect.scatter.add.f32 [tilespmem:s0], [sflag:$0x1], $0x20, s11, s7, $0xb8;
	[tilespmem:$0x1A400] =	vst v63  }
0xf3: {  	_ = 	snop  }
0xf4: {  	[spmem:s2] =	stream.indirect.scatter.add.f32 [tilespmem:s0], [sflag:$0x1], $0x20, s12, s7, $0xb8;
	[tilespmem:$0x1A400] =	vst v63  }
0xf5: {  	_ = 	snop  }
0xf6: {  	[spmem:s2] =	stream.indirect.scatter.add.f32 [tilespmem:s0], [sflag:$0x1], $0x20, s13, s7, $0xb8;
	[tilespmem:$0x1A400] =	vst v63  }
0xf7: {  	_ = 	snop  }
0xf8: {  	[spmem:s2] =	stream.indirect.scatter.add.f32 [tilespmem:s0], [sflag:$0x1], $0x20, s14, s7, $0xb8;
	[tilespmem:$0x1A400] =	vst v63  }
0xf9: {  	_ =	swait.ge [sflag:s15], $0x1000  }
0xfa: {  	[sflag:s15] =	ssyncset.done $0x0  }
0xfb: {  	[sflag:s15] =	ssyncadd.s32 $0xFFFFF000  }
0xfc: {  	_ =	swait.ge [sflag:s15], $0x1000  }
0xfd: {  	[sflag:s15] =	ssyncset.done $0x0  }
0xfe: {  	[sflag:s15] =	ssyncadd.s32 $0xFFFFF000  }
0xff: {  	_ =	swait.ge [sflag:s15], $0x1000  }
0x100: {  	[sflag:s15] =	ssyncset.done $0x0  }
0x101: {  	[sflag:s15] =	ssyncadd.s32 $0xFFFFF000  }
0x102: {  	_ =	swait.ge [sflag:s15], $0x1000  }
0x103: {  	[sflag:s15] =	ssyncset.done $0x0  }
0x104: {  	[sflag:s15] =	ssyncadd.s32 $0xFFFFF000  }
0x105: {  	_ =	swait.ge [sflag:s15], $0x1000  }
0x106: {  	[sflag:s15] =	ssyncset.done $0x0  }
0x107: {  	[sflag:s15] =	ssyncadd.s32 $0xFFFFF000  }
0x108: {  	_ =	swait.ge [sflag:s15], $0x1000  }
0x109: {  	[sflag:s15] =	ssyncset.done $0x0  }
0x10a: {  	[sflag:s15] =	ssyncadd.s32 $0xFFFFF000  }
0x10b: {  	_ =	swait.ge [sflag:s15], $0x1000  }
0x10c: {  	[sflag:s15] =	ssyncset.done $0x0  }
0x10d: {  	[sflag:s15] =	ssyncadd.s32 $0xFFFFF000  }
0x10e: {  	_ =	swait.ge [sflag:s15], $0x1000  }
0x10f: {  	[sflag:s15] =	ssyncset.done $0x0  }
0x110: {  	[sflag:s15] =	ssyncadd.s32 $0xFFFFF000  }
0x111: {  	[bflag:$0x0] =	sbarrier.arrive $0xFFFF  }
0x112: {  	[tilespmem:s0], [sflag:$0x2] =	stream.linear.gather [spmem:s4], $0x1000, $0x38;
	[tilespmem:$0x1A400] =	vst v63  }
0x113: {  	_ =	swait.ge [sflag:s5], $0x1000  }
0x114: {  	[sflag:s5] =	ssyncset.done $0x0  }
0x115: {  	s20 =	sadd.s32 $0x0, s23;
	[sflag:s5] =	ssyncadd.s32 $0xFFFFF000  }
0x116: {  	[hbm4b:s20+s3] =	stream.linear.scatter [tilespmem:s0], [sflag:$0x2], $0x1000, $0x38;
	[tilespmem:$0x1A400] =	vst v63  }
0x117: {  	_ =	swait.ge [sflag:s5], $0x1000  }
0x118: {  	s18 =	smov.u32 s4;
	s17 =	simm.s32 $0x200;
	[sflag:s5] =	ssyncset.done $0x0  }
.LBB2_8:
0x119: {  	p0 =	sne.s32 s17, $0x3000;
	[sflag:s5] =	ssyncadd.s32 $0xFFFFF000;
	s18 =	sadd.s32 $0x1000, s18  }
0x11a: {  	[tilespmem:s0], [sflag:$0x2] =	stream.linear.gather [spmem:s18], $0x1000, $0x38;
	[tilespmem:$0x1A400] =	vst v63  }
0x11b: {  	s19 =	smov.u32 s17;
	s17 =	sadd.s32 $0x200, s17;
	_ =	swait.ge [sflag:s5], $0x1000  }
.Ltmp3:
0x11c: {  	[sflag:s5] =	ssyncset.done $0x0;
	(pc) =	sbr.rel @p0 .LBB2_8-.Ltmp3, $4  }
0x11d: {  	s19 =	sadd.s32 s19, s23;
	[sflag:s5] =	ssyncadd.s32 $0xFFFFF000  }
0x11e: {  	[hbm4b:s19+s3] =	stream.linear.scatter [tilespmem:s0], [sflag:$0x2], $0x1000, $0x38;
	[tilespmem:$0x1A400] =	vst v63  }
0x11f: {  	_ =	swait.ge [sflag:s5], $0x1000  }
0x120: {  	[sflag:s5] =	ssyncset.done $0x0  }
0x121: {  	s16 =	sadd.s32 $0x1, s16  }
0x122: {  	p0 =	sne.s32 s16, s25  }
.Ltmp4:
0x123: {  	_ = 	snop;
	(pc) =	sbr.rel @p0 .LBB2_1-.Ltmp4, $2  }
0x124: {  	_ =	sdelay $0x2  }
0x125: {  	[sflag:s5] =	ssyncadd.s32 $0xFFFFF000  }
0x126: {  	_ =	sfence.sel $0x180000  }
0x127: {  	[bflag:$0x0] =	sbarrier.arrive $0xFFFF  }
0x128: {  	_ =	strace $0x90000047  }
0x129: {  	s0 =	stileid.u32;
	[bflag:$0x2] =	sbarrier.arrive $0xFFFF  }
0x12a: {  	p0 =	sne.s32 s0, $0x0;
	s0 =	rddreg [dreg:$0x3]  }
0x12b: {  	s0 =	sadd.s32 @!p0 $0x100000, s0  }
0x12c: {  	[sflag:s0] =	ssyncadd.tile.s32 @!p0 $0x1;
	_ =	shalt  }
.Lfunc_end2:
_tile_overlayer_lowered:
.L_overlay_start_2:
0x12d: {  	(tag) =	ssettag $0x2  }
0x12e: {  	s0 =	rddreg [dreg:$0x0];
	s2 =	stileid.u32  }
0x12f: {  	s1 =	rddreg [dreg:$0x1];
	p0 =	sne.s32 s2, $0x0  }
0x130: {  	s3 =	rddreg [dreg:$0x2];
	[bflag:$0x3] =	sbarrier.arrive $0xFFFF;
	s2 =	simm.s32 @!p0 $0x1C02  }
0x131: {  	[timem:s3], [sflag:s2] =	dma.local @!p0 [hbm:s0], s1  }
0x132: {  	s0 =	simm.s32 @!p0 $0x2  }
0x133: {  	_ =	swait.ge @!p0 [sflag:s0], s1  }
0x134: {  	s1 =	ssub.s32 @!p0 $0x0, s1;
	[sflag:s0] =	ssyncset.done @!p0 $0x0  }
0x135: {  	[sflag:s0] =	ssyncadd.s32 @!p0 s1  }
0x136: {  	[bflag:$0x3] =	sbarrier.arrive $0xFFFF  }
0x137: {  	_ =	shalt  }

</sc_bundles>
